<compile_context>
chip_gen: v7x
topology: tpu7x:2x2x1
jax: 0.10.2.dev20260603
libtpu: 0.0.44.dev20260713+nightly
codegen_flags: <defaults>
</compile_context>

<pallas_src>
import functools

import jax
import jax.numpy as jnp
from jax import lax
from jax.experimental import pallas as pl
from jax.experimental.pallas import tpu as pltpu
from jax.experimental.pallas import tpu_sc as plsc



def _tc_body(l_ref, u_ref, o_ref, r_ref):
    e = jnp.exp(2.0 * l_ref[0])
    t = jnp.log(u_ref[0])
    r = (1.0 / (t * t)) * e
    r_ref[...] = r
    s = jnp.sum(r, axis=1, keepdims=True)
    o_ref[0] = jnp.max(r_ref[...] * (1.0 / s), axis=0, keepdims=True)


def _kernel_tc(logits, uniform, nb):
    B, K, D = uniform.shape
    out = pl.pallas_call(
        _tc_body,
        grid=(nb,),
        in_specs=[
            pl.BlockSpec((1, 1, D), lambda b: (b, 0, 0)),
            pl.BlockSpec((1, K, D), lambda b: (b, 0, 0)),
        ],
        out_specs=pl.BlockSpec((1, 1, D), lambda b: (b, 0, 0)),
        out_shape=jax.ShapeDtypeStruct((nb, 1, D), jnp.float32),
        scratch_shapes=[pltpu.VMEM((K, D), jnp.float32)],
    )(logits.reshape(B, 1, D), uniform)
    return out.reshape(nb, D)



_P = (1.4426950408889634 * 1.0000046491622925,
      1.4426950408889634 * -0.4999035894870758,
      1.4426950408889634 * 0.33256760239601135,
      1.4426950408889634 * -0.2539786398410797,
      1.4426950408889634 * 0.22070538997650146,
      1.4426950408889634 * -0.14338473975658417)
_SQRTH_BITS = 0x3F3504F3
_LANES = 16


def _sw_log2(u):
    bits = plsc.bitcast(u, jnp.int32)
    x = bits + (0x3F800000 - _SQRTH_BITS)
    k = lax.shift_right_arithmetic(x, 23) - 127
    m = plsc.bitcast((x & 0x007FFFFF) + _SQRTH_BITS, jnp.float32)
    f = m - 1.0
    p = jnp.float32(_P[5])
    for c in (_P[4], _P[3], _P[2], _P[1], _P[0]):
        p = p * f + jnp.float32(c)
    return f * p + k.astype(jnp.float32)


def _rcp(v):
    y = plsc.bitcast(jnp.int32(0x7EF311C3) - plsc.bitcast(v, jnp.int32),
                     jnp.float32)
    y = y * (2.0 - v * y)
    y = y * (2.0 - v * y)
    return y


_NW = 32


def _kernel_sc_partial(logits, uniform, b0, BS):
    B, K, D = uniform.shape
    G = _NW // BS
    KW = K // G
    nvec = D // _LANES
    mesh = plsc.VectorSubcoreMesh(core_axis_name="c", subcore_axis_name="s")

    @functools.partial(
        pl.kernel,
        out_type=jax.ShapeDtypeStruct((_NW, D), jnp.float32),
        mesh=mesh,
        scratch_types=[
            pltpu.VMEM((D,), jnp.float32),
            pltpu.VMEM((D,), jnp.float32),
            pltpu.VMEM((D,), jnp.float32),
            pltpu.VMEM((D,), jnp.float32),
        ],
        compiler_params=pltpu.CompilerParams(needs_layout_passes=False),
    )
    def sc_kernel(l_hbm, u_hbm, out_hbm, e_v, u_v, r_v, m_v):
        wid = lax.axis_index("s") * 2 + lax.axis_index("c")
        b = b0 + wid // G
        k0 = (wid % G) * KW

        pltpu.sync_copy(l_hbm.at[b], e_v)

        def init_body(i, _):
            sl = pl.ds(i * _LANES, _LANES)
            e_v[sl] = jnp.exp(2.0 * e_v[sl])
            m_v[sl] = jnp.zeros((_LANES,), jnp.float32)
            return 0
        lax.fori_loop(0, nvec, init_body, 0)

        def k_body(k, _):
            pltpu.sync_copy(u_hbm.at[b, k], u_v)

            def pass1(i, acc):
                sl = pl.ds(i * _LANES, _LANES)
                q = _sw_log2(u_v[sl])
                r = e_v[sl] * _rcp(q * q)
                r_v[sl] = r
                return acc + r
            acc = lax.fori_loop(0, nvec, pass1,
                                jnp.zeros((_LANES,), jnp.float32))
            rs = _rcp(jnp.full((_LANES,), jnp.sum(acc), jnp.float32))

            def pass2(i, _):
                sl = pl.ds(i * _LANES, _LANES)
                m_v[sl] = jnp.maximum(m_v[sl], r_v[sl] * rs)
                return 0
            lax.fori_loop(0, nvec, pass2, 0)
            return 0

        lax.fori_loop(k0, k0 + KW, k_body, 0)
        pltpu.sync_copy(m_v, out_hbm.at[wid])

    return sc_kernel(logits, uniform)


def _combine_body(p_ref, o_ref):
    o_ref[0] = jnp.max(p_ref[0], axis=0, keepdims=True)


def _combine_tc(partial, BS, D):
    G = _NW // BS
    out = pl.pallas_call(
        _combine_body,
        grid=(BS,),
        in_specs=[pl.BlockSpec((1, G, D), lambda b: (b, 0, 0))],
        out_specs=pl.BlockSpec((1, 1, D), lambda b: (b, 0, 0)),
        out_shape=jax.ShapeDtypeStruct((BS, 1, D), jnp.float32),
    )(partial.reshape(BS, G, D))
    return out.reshape(BS, D)


_BS_SC = 2


def kernel(logits, uniform):
    B, K, D = uniform.shape
    nt = B - _BS_SC
    out_tc = _kernel_tc(logits, uniform, nt)
    partial = _kernel_sc_partial(logits, uniform, nt, _BS_SC)
    out_sc = _combine_tc(partial, _BS_SC, D)
    return jnp.concatenate([out_tc, out_sc], axis=0)

# --- scband reference (transcript-rebuilt; emitter-appended) ---
"""Pipeline reference for scband-sample-concrete-50568944943757 (READ-ONLY COPY).

The authoritative reference and input builder live on the scoring server;
editing this copy changes nothing except your own understanding.
"""

import jax, jax.numpy as jnp
import numpy as np

TAU0 = 0.5
K_SEL = 64


def setup_inputs(seed: int = 0) -> dict:
    key = jax.random.key(seed)
    k1, k2 = jax.random.split(key)
    B, D = 32, 8192
    logits = jax.random.normal(k1, (B, D), dtype=jnp.float32)
    tiny = float(np.finfo(np.float32).tiny)
    uniform = jax.random.uniform(k2, (B, K_SEL, D), dtype=jnp.float32, minval=tiny, maxval=1.0)
    return {"logits": logits, "uniform": uniform}


def reference(logits, uniform):
    # Training-phase path of Sample_Concrete (gumbel-softmax relaxation)
    logits_ = jnp.expand_dims(logits, -2)              # [B, 1, D]
    gumbel = -jnp.log(-jnp.log(uniform))               # [B, k, D]
    noisy_logits = (gumbel + logits_) / TAU0           # [B, k, D]
    samples = jax.nn.softmax(noisy_logits, axis=-1)    # softmax over D
    samples = jnp.max(samples, axis=1)                 # [B, D]
    return samples

if __name__ == "__main__":
    import jax
    _d = setup_inputs()
    print(jax.jit(kernel)(*tuple(_d.values())))

</pallas_src>

<mosaic_0001>
#map = affine_map<(d0, d1) -> (0, 0)>
#map1 = affine_map<(d0, d1) -> (0, 0, 0)>
module attributes {stable_mosaic.version = 14 : i64} {
  func.func @sc_kernel(%arg0: i32, %arg1: i32, %arg2: memref<32x8192xf32, #tpu.memory_space<hbm>>, %arg3: memref<32x64x8192xf32, #tpu.memory_space<hbm>>, %arg4: memref<32x8192xf32, #tpu.memory_space<hbm>>, %arg5: memref<8192xf32, #tpu.memory_space<vmem>>, %arg6: memref<8192xf32, #tpu.memory_space<vmem>>, %arg7: memref<8192xf32, #tpu.memory_space<vmem>>, %arg8: memref<8192xf32, #tpu.memory_space<vmem>>) attributes {dimension_semantics = [#tpu.dimension_semantics<core_parallel>, #tpu.dimension_semantics<subcore_parallel>], iteration_bounds = array<i64: 2, 16>, scalar_prefetch = 0 : i64, scratch_operands = 4 : i64, tpu.core_type = #tpu.core_type<sc_vector_subcore>, window_params = [{transform_indices = #map}, {transform_indices = #map1}, {transform_indices = #map}]} {
    %mul3A = arith.constant 2 : i32
    %mul3A_0 = arith.muli %arg1, %mul3A : i32
    %add3A = arith.addi %mul3A_0, %arg0 : i32
    %jit3A = arith.constant 16 : i32
    %div3A = arith.divsi %add3A, %jit3A : i32
    %sign3A = arith.constant 0 : i32
    %sign3A_1 = arith.cmpi sgt, %add3A, %sign3A : i32
    %sign3A_2 = arith.extui %sign3A_1 : i1 to i32
    %sign3A_3 = arith.constant 0 : i32
    %sign3A_4 = arith.cmpi slt, %add3A, %sign3A_3 : i32
    %sign3A_5 = arith.extui %sign3A_4 : i1 to i32
    %sign3A_6 = arith.subi %sign3A_2, %sign3A_5 : i32
    %sign3A_7 = arith.constant 0 : i32
    %sign3A_8 = arith.cmpi sgt, %jit3A, %sign3A_7 : i32
    %sign3A_9 = arith.extui %sign3A_8 : i1 to i32
    %sign3A_10 = arith.constant 0 : i32
    %sign3A_11 = arith.cmpi slt, %jit3A, %sign3A_10 : i32
    %sign3A_12 = arith.extui %sign3A_11 : i1 to i32
    %sign3A_13 = arith.subi %sign3A_9, %sign3A_12 : i32
    %ne3A = arith.cmpi ne, %sign3A_6, %sign3A_13 : i32
    %rem3A = arith.remsi %add3A, %jit3A : i32
    %ne3A_14 = arith.constant 0 : i32
    %ne3A_15 = arith.cmpi ne, %rem3A, %ne3A_14 : i32
    %and3A = arith.andi %ne3A, %ne3A_15 : i1
    %sub3A = arith.constant 1 : i32
    %sub3A_16 = arith.subi %div3A, %sub3A : i32
    %select_n3A = arith.select %and3A, %sub3A_16, %div3A : i32
    %add3A_17 = arith.constant 30 : i32
    %add3A_18 = arith.addi %add3A_17, %select_n3A : i32
    %jit3A_19 = arith.constant 16 : i32
    %eq3A = arith.constant 0 : i32
    %eq3A_20 = arith.cmpi eq, %jit3A_19, %eq3A : i32
    %jit3A_21 = arith.constant 1 : i32
    %select_n3A_22 = arith.select %eq3A_20, %jit3A_21, %jit3A_19 : i32
    %rem3A_23 = arith.remsi %add3A, %select_n3A_22 : i32
    %ne3A_24 = arith.constant 0 : i32
    %ne3A_25 = arith.cmpi ne, %rem3A_23, %ne3A_24 : i32
    %lt3A = arith.constant 0 : i32
    %lt3A_26 = arith.cmpi slt, %rem3A_23, %lt3A : i32
    %lt3A_27 = arith.constant 0 : i32
    %lt3A_28 = arith.cmpi slt, %select_n3A_22, %lt3A_27 : i32
    %ne3A_29 = arith.xori %lt3A_26, %lt3A_28 : i1
    %and3A_30 = arith.andi %ne3A_29, %ne3A_25 : i1
    %add3A_31 = arith.addi %rem3A_23, %select_n3A_22 : i32
    %select_n3A_32 = arith.select %and3A_30, %add3A_31, %rem3A_23 : i32
    %mul3A_33 = arith.constant 4 : i32
    %mul3A_34 = arith.muli %select_n3A_32, %mul3A_33 : i32
    "tpu.region"() ({
      %run_scoped3A = tpu.sem_alloc : memref<!tpu.dma_semaphore, #tpu.memory_space<semaphore_mem>>
      %dma_start3A = arith.constant 0 : i32
      %dma_start3A_53 = tpu.memref_slice %arg2[%add3A_18, %dma_start3A] : memref<32x8192xf32, #tpu.memory_space<hbm>> -> memref<1x8192xf32, #tpu.memory_space<hbm>>
      %dma_start3A_54 = tpu.memref_squeeze %dma_start3A_53 : memref<1x8192xf32, #tpu.memory_space<hbm>> -> memref<8192xf32, #tpu.memory_space<hbm>>
      %dma_start3A_55 = arith.constant 0 : i32
      %dma_start3A_56 = tpu.memref_slice %arg2[%add3A_18, %dma_start3A_55] : memref<32x8192xf32, #tpu.memory_space<hbm>> -> memref<1x8192xf32, #tpu.memory_space<hbm>>
      %dma_start3A_57 = tpu.memref_squeeze %dma_start3A_56 : memref<1x8192xf32, #tpu.memory_space<hbm>> -> memref<8192xf32, #tpu.memory_space<hbm>>
      tpu.enqueue_dma source(%dma_start3A_57 : memref<8192xf32, #tpu.memory_space<hbm>>) target(%arg5 : memref<8192xf32, #tpu.memory_space<vmem>>) target_semaphore(%run_scoped3A : memref<!tpu.dma_semaphore, #tpu.memory_space<semaphore_mem>>)
      %dma_wait3A = arith.constant 0 : i32
      %dma_wait3A_58 = tpu.memref_slice %arg2[%add3A_18, %dma_wait3A] : memref<32x8192xf32, #tpu.memory_space<hbm>> -> memref<1x8192xf32, #tpu.memory_space<hbm>>
      %dma_wait3A_59 = tpu.memref_squeeze %dma_wait3A_58 : memref<1x8192xf32, #tpu.memory_space<hbm>> -> memref<8192xf32, #tpu.memory_space<hbm>>
      %dma_wait3A_60 = arith.constant 0 : i32
      %dma_wait3A_61 = tpu.memref_slice %arg2[%add3A_18, %dma_wait3A_60] : memref<32x8192xf32, #tpu.memory_space<hbm>> -> memref<1x8192xf32, #tpu.memory_space<hbm>>
      %dma_wait3A_62 = tpu.memref_squeeze %dma_wait3A_61 : memref<1x8192xf32, #tpu.memory_space<hbm>> -> memref<8192xf32, #tpu.memory_space<hbm>>
      tpu.wait_dma2 semaphore(%run_scoped3A : memref<!tpu.dma_semaphore, #tpu.memory_space<semaphore_mem>>) src(%dma_wait3A_62 : memref<8192xf32, #tpu.memory_space<hbm>>) dst(%arg5 : memref<8192xf32, #tpu.memory_space<vmem>>)
      tpu.yield
    }) : () -> ()
    %scan3A = arith.constant 0 : i32
    %scan3A_35 = arith.constant 0 : i32
    %scan3A_36 = arith.constant 512 : i32
    %scan3A_37 = arith.addi %scan3A_35, %scan3A_36 : i32
    %scan3A_38 = arith.constant 1 : i32
    %scan3A_39 = scf.for %scan3A_53 = %scan3A_35 to %scan3A_37 step %scan3A_38 iter_args(%scan3A_54 = %scan3A) -> (i32)  : i32 {
      %mul3A_55 = arith.constant 16 : i32
      %mul3A_56 = arith.muli %scan3A_53, %mul3A_55 : i32
      %get3A = arith.index_cast %mul3A_56 : i32 to index
      %get3A_57 = tpu.vector_load %arg5[%get3A] {strides = array<i32>} : memref<8192xf32, #tpu.memory_space<vmem>>, vector<16xf32>,
      %mul3A_58 = arith.constant 2.000000e+00 : f32
      %mul3A_59 = vector.broadcast %mul3A_58 : f32 to vector<16xf32>
      %mul3A_60 = arith.mulf %mul3A_59, %get3A_57 : vector<16xf32>
      %exp3A = math.exp %mul3A_60 : vector<16xf32>
      %swap3A = arith.index_cast %mul3A_56 : i32 to index
      %swap3A_61 = tpu.vector_load %arg5[%swap3A] {strides = array<i32>} : memref<8192xf32, #tpu.memory_space<vmem>>, vector<16xf32>,
      tpu.vector_store %arg5[%swap3A], %exp3A {strides = array<i32>} : memref<8192xf32, #tpu.memory_space<vmem>>, vector<16xf32>,
      %broadcast_in_dim3A = arith.constant 0.000000e+00 : f32
      %broadcast_in_dim3A_62 = vector.broadcast %broadcast_in_dim3A : f32 to vector<16xf32>
      %swap3A_63 = arith.index_cast %mul3A_56 : i32 to index
      %swap3A_64 = tpu.vector_load %arg8[%swap3A_63] {strides = array<i32>} : memref<8192xf32, #tpu.memory_space<vmem>>, vector<16xf32>,
      tpu.vector_store %arg8[%swap3A_63], %broadcast_in_dim3A_62 {strides = array<i32>} : memref<8192xf32, #tpu.memory_space<vmem>>, vector<16xf32>,
      %scan3A_65 = arith.constant 0 : i32
      scf.yield %scan3A_65 : i32
    }
    %scan3A_40 = arith.constant 512 : i32
    %add3A_41 = arith.constant 4 : i32
    %add3A_42 = arith.addi %mul3A_34, %add3A_41 : i32
    %while3A = arith.constant 0 : i32
    %while3A_43 = arith.subi %add3A_42, %mul3A_34 : i32
    %while3A_44 = arith.addi %mul3A_34, %while3A_43 : i32
    %while3A_45 = arith.constant 1 : i32
    %while3A_46 = arith.divsi %while3A_43, %while3A_45 : i32
    %while3A_47 = arith.muli %while3A_46, %while3A_45 : i32
    %while3A_48 = arith.addi %mul3A_34, %while3A_47 : i32
    %while3A_49 = arith.constant 1 : i32
    %while3A_50 = scf.for %while3A_53 = %mul3A_34 to %while3A_48 step %while3A_49 iter_args(%while3A_54 = %while3A) -> (i32)  : i32 {
      "tpu.region"() ({
        %run_scoped3A = tpu.sem_alloc : memref<!tpu.dma_semaphore, #tpu.memory_space<semaphore_mem>>
        %dma_start3A = arith.constant 0 : i32
        %dma_start3A_88 = tpu.memref_slice %arg3[%add3A_18, %while3A_53, %dma_start3A] : memref<32x64x8192xf32, #tpu.memory_space<hbm>> -> memref<1x1x8192xf32, #tpu.memory_space<hbm>>
        %dma_start3A_89 = tpu.memref_squeeze %dma_start3A_88 : memref<1x1x8192xf32, #tpu.memory_space<hbm>> -> memref<8192xf32, #tpu.memory_space<hbm>>
        %dma_start3A_90 = arith.constant 0 : i32
        %dma_start3A_91 = tpu.memref_slice %arg3[%add3A_18, %while3A_53, %dma_start3A_90] : memref<32x64x8192xf32, #tpu.memory_space<hbm>> -> memref<1x1x8192xf32, #tpu.memory_space<hbm>>
        %dma_start3A_92 = tpu.memref_squeeze %dma_start3A_91 : memref<1x1x8192xf32, #tpu.memory_space<hbm>> -> memref<8192xf32, #tpu.memory_space<hbm>>
        tpu.enqueue_dma source(%dma_start3A_92 : memref<8192xf32, #tpu.memory_space<hbm>>) target(%arg6 : memref<8192xf32, #tpu.memory_space<vmem>>) target_semaphore(%run_scoped3A : memref<!tpu.dma_semaphore, #tpu.memory_space<semaphore_mem>>)
        %dma_wait3A = arith.constant 0 : i32
        %dma_wait3A_93 = tpu.memref_slice %arg3[%add3A_18, %while3A_53, %dma_wait3A] : memref<32x64x8192xf32, #tpu.memory_space<hbm>> -> memref<1x1x8192xf32, #tpu.memory_space<hbm>>
        %dma_wait3A_94 = tpu.memref_squeeze %dma_wait3A_93 : memref<1x1x8192xf32, #tpu.memory_space<hbm>> -> memref<8192xf32, #tpu.memory_space<hbm>>
        %dma_wait3A_95 = arith.constant 0 : i32
        %dma_wait3A_96 = tpu.memref_slice %arg3[%add3A_18, %while3A_53, %dma_wait3A_95] : memref<32x64x8192xf32, #tpu.memory_space<hbm>> -> memref<1x1x8192xf32, #tpu.memory_space<hbm>>
        %dma_wait3A_97 = tpu.memref_squeeze %dma_wait3A_96 : memref<1x1x8192xf32, #tpu.memory_space<hbm>> -> memref<8192xf32, #tpu.memory_space<hbm>>
        tpu.wait_dma2 semaphore(%run_scoped3A : memref<!tpu.dma_semaphore, #tpu.memory_space<semaphore_mem>>) src(%dma_wait3A_97 : memref<8192xf32, #tpu.memory_space<hbm>>) dst(%arg6 : memref<8192xf32, #tpu.memory_space<vmem>>)
        tpu.yield
      }) : () -> ()
      %broadcast_in_dim3A = arith.constant 0.000000e+00 : f32
      %broadcast_in_dim3A_55 = vector.broadcast %broadcast_in_dim3A : f32 to vector<16xf32>
      %scan3A_56 = arith.constant 0 : i32
      %scan3A_57 = arith.constant 512 : i32
      %scan3A_58 = arith.addi %scan3A_56, %scan3A_57 : i32
      %scan3A_59 = arith.constant 1 : i32
      %scan3A_60 = scf.for %scan3A_88 = %scan3A_56 to %scan3A_58 step %scan3A_59 iter_args(%scan3A_89 = %broadcast_in_dim3A_55) -> (vector<16xf32>)  : i32 {
        %mul3A_90 = arith.constant 16 : i32
        %mul3A_91 = arith.muli %scan3A_88, %mul3A_90 : i32
        %get3A = arith.index_cast %mul3A_91 : i32 to index
        %get3A_92 = tpu.vector_load %arg6[%get3A] {strides = array<i32>} : memref<8192xf32, #tpu.memory_space<vmem>>, vector<16xf32>,
        %bitcast3A_93 = vector.bitcast %get3A_92 : vector<16xf32> to vector<16xi32>
        %add3A_94 = arith.constant 4913933 : i32
        %add3A_95 = vector.broadcast %add3A_94 : i32 to vector<16xi32>
        %add3A_96 = arith.addi %bitcast3A_93, %add3A_95 : vector<16xi32>
        %shift_right_arithmetic3A = arith.constant 23 : i32
        %shift_right_arithmetic3A_97 = vector.broadcast %shift_right_arithmetic3A : i32 to vector<16xi32>
        %shift_right_arithmetic3A_98 = arith.shrsi %add3A_96, %shift_right_arithmetic3A_97 : vector<16xi32>
        %sub3A_99 = arith.constant 127 : i32
        %sub3A_100 = vector.broadcast %sub3A_99 : i32 to vector<16xi32>
        %sub3A_101 = arith.subi %shift_right_arithmetic3A_98, %sub3A_100 : vector<16xi32>
        %and3A_102 = arith.constant 8388607 : i32
        %and3A_103 = vector.broadcast %and3A_102 : i32 to vector<16xi32>
        %and3A_104 = arith.andi %add3A_96, %and3A_103 : vector<16xi32>
        %add3A_105 = arith.constant 1060439283 : i32
        %add3A_106 = vector.broadcast %add3A_105 : i32 to vector<16xi32>
        %add3A_107 = arith.addi %and3A_104, %add3A_106 : vector<16xi32>
        %bitcast3A_108 = vector.bitcast %add3A_107 : vector<16xi32> to vector<16xf32>
        %sub3A_109 = arith.constant 1.000000e+00 : f32
        %sub3A_110 = vector.broadcast %sub3A_109 : f32 to vector<16xf32>
        %sub3A_111 = arith.subf %bitcast3A_108, %sub3A_110 : vector<16xf32>
        %mul3A_112 = arith.constant -0.206860453 : f32
        %mul3A_113 = vector.broadcast %mul3A_112 : f32 to vector<16xf32>
        %mul3A_114 = arith.mulf %mul3A_113, %sub3A_111 : vector<16xf32>
        %add3A_115 = arith.constant 0.318410575 : f32
        %add3A_116 = vector.broadcast %add3A_115 : f32 to vector<16xf32>
        %add3A_117 = arith.addf %mul3A_114, %add3A_116 : vector<16xf32>
        %mul3A_118 = arith.mulf %add3A_117, %sub3A_111 : vector<16xf32>
        %add3A_119 = arith.constant -0.366413713 : f32
        %add3A_120 = vector.broadcast %add3A_119 : f32 to vector<16xf32>
        %add3A_121 = arith.addf %mul3A_118, %add3A_120 : vector<16xf32>
        %mul3A_122 = arith.mulf %add3A_121, %sub3A_111 : vector<16xf32>
        %add3A_123 = arith.constant 0.479793638 : f32
        %add3A_124 = vector.broadcast %add3A_123 : f32 to vector<16xf32>
        %add3A_125 = arith.addf %mul3A_122, %add3A_124 : vector<16xf32>
        %mul3A_126 = arith.mulf %add3A_125, %sub3A_111 : vector<16xf32>
        %add3A_127 = arith.constant -0.721208453 : f32
        %add3A_128 = vector.broadcast %add3A_127 : f32 to vector<16xf32>
        %add3A_129 = arith.addf %mul3A_126, %add3A_128 : vector<16xf32>
        %mul3A_130 = arith.mulf %add3A_129, %sub3A_111 : vector<16xf32>
        %add3A_131 = arith.constant 1.4427017 : f32
        %add3A_132 = vector.broadcast %add3A_131 : f32 to vector<16xf32>
        %add3A_133 = arith.addf %mul3A_130, %add3A_132 : vector<16xf32>
        %mul3A_134 = arith.mulf %sub3A_111, %add3A_133 : vector<16xf32>
        %convert_element_type3A = arith.sitofp %sub3A_101 : vector<16xi32> to vector<16xf32>
        %add3A_135 = arith.addf %mul3A_134, %convert_element_type3A : vector<16xf32>
        %get3A_136 = arith.index_cast %mul3A_91 : i32 to index
        %get3A_137 = tpu.vector_load %arg5[%get3A_136] {strides = array<i32>} : memref<8192xf32, #tpu.memory_space<vmem>>, vector<16xf32>,
        %mul3A_138 = arith.mulf %add3A_135, %add3A_135 : vector<16xf32>
        %bitcast3A_139 = vector.bitcast %mul3A_138 : vector<16xf32> to vector<16xi32>
        %sub3A_140 = arith.constant 2129859011 : i32
        %sub3A_141 = vector.broadcast %sub3A_140 : i32 to vector<16xi32>
        %sub3A_142 = arith.subi %sub3A_141, %bitcast3A_139 : vector<16xi32>
        %bitcast3A_143 = vector.bitcast %sub3A_142 : vector<16xi32> to vector<16xf32>
        %mul3A_144 = arith.mulf %mul3A_138, %bitcast3A_143 : vector<16xf32>
        %sub3A_145 = arith.constant 2.000000e+00 : f32
        %sub3A_146 = vector.broadcast %sub3A_145 : f32 to vector<16xf32>
        %sub3A_147 = arith.subf %sub3A_146, %mul3A_144 : vector<16xf32>
        %mul3A_148 = arith.mulf %bitcast3A_143, %sub3A_147 : vector<16xf32>
        %mul3A_149 = arith.mulf %mul3A_138, %mul3A_148 : vector<16xf32>
        %sub3A_150 = arith.constant 2.000000e+00 : f32
        %sub3A_151 = vector.broadcast %sub3A_150 : f32 to vector<16xf32>
        %sub3A_152 = arith.subf %sub3A_151, %mul3A_149 : vector<16xf32>
        %mul3A_153 = arith.mulf %mul3A_148, %sub3A_152 : vector<16xf32>
        %mul3A_154 = arith.mulf %get3A_137, %mul3A_153 : vector<16xf32>
        %swap3A = arith.index_cast %mul3A_91 : i32 to index
        %swap3A_155 = tpu.vector_load %arg7[%swap3A] {strides = array<i32>} : memref<8192xf32, #tpu.memory_space<vmem>>, vector<16xf32>,
        tpu.vector_store %arg7[%swap3A], %mul3A_154 {strides = array<i32>} : memref<8192xf32, #tpu.memory_space<vmem>>, vector<16xf32>,
        %add3A_156 = arith.addf %scan3A_89, %mul3A_154 : vector<16xf32>
        scf.yield %add3A_156 : vector<16xf32>
      }
      %scan3A_61 = arith.constant 512 : i32
      %reduce_sum3A = arith.constant true
      %reduce_sum3A_62 = vector.broadcast %reduce_sum3A : i1 to vector<16xi1>
      %reduce_sum3A_63 = tpu.scan <sum>, %scan3A_60 masked %reduce_sum3A_62 : vector<16xf32>, vector<16xi1> -> vector<16xf32>
      %reduce_sum3A_64 = vector.extract %reduce_sum3A_63[15] : f32 from vector<16xf32>
      %broadcast_in_dim3A_65 = vector.broadcast %reduce_sum3A_64 : f32 to vector<16xf32>
      %bitcast3A = vector.bitcast %broadcast_in_dim3A_65 : vector<16xf32> to vector<16xi32>
      %sub3A_66 = arith.constant 2129859011 : i32
      %sub3A_67 = vector.broadcast %sub3A_66 : i32 to vector<16xi32>
      %sub3A_68 = arith.subi %sub3A_67, %bitcast3A : vector<16xi32>
      %bitcast3A_69 = vector.bitcast %sub3A_68 : vector<16xi32> to vector<16xf32>
      %mul3A_70 = arith.mulf %broadcast_in_dim3A_65, %bitcast3A_69 : vector<16xf32>
      %sub3A_71 = arith.constant 2.000000e+00 : f32
      %sub3A_72 = vector.broadcast %sub3A_71 : f32 to vector<16xf32>
      %sub3A_73 = arith.subf %sub3A_72, %mul3A_70 : vector<16xf32>
      %mul3A_74 = arith.mulf %bitcast3A_69, %sub3A_73 : vector<16xf32>
      %mul3A_75 = arith.mulf %broadcast_in_dim3A_65, %mul3A_74 : vector<16xf32>
      %sub3A_76 = arith.constant 2.000000e+00 : f32
      %sub3A_77 = vector.broadcast %sub3A_76 : f32 to vector<16xf32>
      %sub3A_78 = arith.subf %sub3A_77, %mul3A_75 : vector<16xf32>
      %mul3A_79 = arith.mulf %mul3A_74, %sub3A_78 : vector<16xf32>
      %scan3A_80 = arith.constant 0 : i32
      %scan3A_81 = arith.constant 0 : i32
      %scan3A_82 = arith.constant 512 : i32
      %scan3A_83 = arith.addi %scan3A_81, %scan3A_82 : i32
      %scan3A_84 = arith.constant 1 : i32
      %scan3A_85 = scf.for %scan3A_88 = %scan3A_81 to %scan3A_83 step %scan3A_84 iter_args(%scan3A_89 = %scan3A_80) -> (i32)  : i32 {
        %mul3A_90 = arith.constant 16 : i32
        %mul3A_91 = arith.muli %scan3A_88, %mul3A_90 : i32
        %get3A = arith.index_cast %mul3A_91 : i32 to index
        %get3A_92 = tpu.vector_load %arg8[%get3A] {strides = array<i32>} : memref<8192xf32, #tpu.memory_space<vmem>>, vector<16xf32>,
        %get3A_93 = arith.index_cast %mul3A_91 : i32 to index
        %get3A_94 = tpu.vector_load %arg7[%get3A_93] {strides = array<i32>} : memref<8192xf32, #tpu.memory_space<vmem>>, vector<16xf32>,
        %mul3A_95 = arith.mulf %get3A_94, %mul3A_79 : vector<16xf32>
        %max3A = arith.maximumf %get3A_92, %mul3A_95 : vector<16xf32>
        %swap3A = arith.index_cast %mul3A_91 : i32 to index
        %swap3A_96 = tpu.vector_load %arg8[%swap3A] {strides = array<i32>} : memref<8192xf32, #tpu.memory_space<vmem>>, vector<16xf32>,
        tpu.vector_store %arg8[%swap3A], %max3A {strides = array<i32>} : memref<8192xf32, #tpu.memory_space<vmem>>, vector<16xf32>,
        %scan3A_97 = arith.constant 0 : i32
        scf.yield %scan3A_97 : i32
      }
      %scan3A_86 = arith.constant 512 : i32
      %while3A_87 = arith.constant 0 : i32
      scf.yield %while3A_87 : i32
    }
    %while3A_51 = arith.constant 1 : i32
    %while3A_52 = scf.for %while3A_53 = %while3A_48 to %while3A_44 step %while3A_51 iter_args(%while3A_54 = %while3A_50) -> (i32)  : i32 {
      "tpu.region"() ({
        %run_scoped3A = tpu.sem_alloc : memref<!tpu.dma_semaphore, #tpu.memory_space<semaphore_mem>>
        %dma_start3A = arith.constant 0 : i32
        %dma_start3A_88 = tpu.memref_slice %arg3[%add3A_18, %while3A_53, %dma_start3A] : memref<32x64x8192xf32, #tpu.memory_space<hbm>> -> memref<1x1x8192xf32, #tpu.memory_space<hbm>>
        %dma_start3A_89 = tpu.memref_squeeze %dma_start3A_88 : memref<1x1x8192xf32, #tpu.memory_space<hbm>> -> memref<8192xf32, #tpu.memory_space<hbm>>
        %dma_start3A_90 = arith.constant 0 : i32
        %dma_start3A_91 = tpu.memref_slice %arg3[%add3A_18, %while3A_53, %dma_start3A_90] : memref<32x64x8192xf32, #tpu.memory_space<hbm>> -> memref<1x1x8192xf32, #tpu.memory_space<hbm>>
        %dma_start3A_92 = tpu.memref_squeeze %dma_start3A_91 : memref<1x1x8192xf32, #tpu.memory_space<hbm>> -> memref<8192xf32, #tpu.memory_space<hbm>>
        tpu.enqueue_dma source(%dma_start3A_92 : memref<8192xf32, #tpu.memory_space<hbm>>) target(%arg6 : memref<8192xf32, #tpu.memory_space<vmem>>) target_semaphore(%run_scoped3A : memref<!tpu.dma_semaphore, #tpu.memory_space<semaphore_mem>>)
        %dma_wait3A = arith.constant 0 : i32
        %dma_wait3A_93 = tpu.memref_slice %arg3[%add3A_18, %while3A_53, %dma_wait3A] : memref<32x64x8192xf32, #tpu.memory_space<hbm>> -> memref<1x1x8192xf32, #tpu.memory_space<hbm>>
        %dma_wait3A_94 = tpu.memref_squeeze %dma_wait3A_93 : memref<1x1x8192xf32, #tpu.memory_space<hbm>> -> memref<8192xf32, #tpu.memory_space<hbm>>
        %dma_wait3A_95 = arith.constant 0 : i32
        %dma_wait3A_96 = tpu.memref_slice %arg3[%add3A_18, %while3A_53, %dma_wait3A_95] : memref<32x64x8192xf32, #tpu.memory_space<hbm>> -> memref<1x1x8192xf32, #tpu.memory_space<hbm>>
        %dma_wait3A_97 = tpu.memref_squeeze %dma_wait3A_96 : memref<1x1x8192xf32, #tpu.memory_space<hbm>> -> memref<8192xf32, #tpu.memory_space<hbm>>
        tpu.wait_dma2 semaphore(%run_scoped3A : memref<!tpu.dma_semaphore, #tpu.memory_space<semaphore_mem>>) src(%dma_wait3A_97 : memref<8192xf32, #tpu.memory_space<hbm>>) dst(%arg6 : memref<8192xf32, #tpu.memory_space<vmem>>)
        tpu.yield
      }) : () -> ()
      %broadcast_in_dim3A = arith.constant 0.000000e+00 : f32
      %broadcast_in_dim3A_55 = vector.broadcast %broadcast_in_dim3A : f32 to vector<16xf32>
      %scan3A_56 = arith.constant 0 : i32
      %scan3A_57 = arith.constant 512 : i32
      %scan3A_58 = arith.addi %scan3A_56, %scan3A_57 : i32
      %scan3A_59 = arith.constant 1 : i32
      %scan3A_60 = scf.for %scan3A_88 = %scan3A_56 to %scan3A_58 step %scan3A_59 iter_args(%scan3A_89 = %broadcast_in_dim3A_55) -> (vector<16xf32>)  : i32 {
        %mul3A_90 = arith.constant 16 : i32
        %mul3A_91 = arith.muli %scan3A_88, %mul3A_90 : i32
        %get3A = arith.index_cast %mul3A_91 : i32 to index
        %get3A_92 = tpu.vector_load %arg6[%get3A] {strides = array<i32>} : memref<8192xf32, #tpu.memory_space<vmem>>, vector<16xf32>,
        %bitcast3A_93 = vector.bitcast %get3A_92 : vector<16xf32> to vector<16xi32>
        %add3A_94 = arith.constant 4913933 : i32
        %add3A_95 = vector.broadcast %add3A_94 : i32 to vector<16xi32>
        %add3A_96 = arith.addi %bitcast3A_93, %add3A_95 : vector<16xi32>
        %shift_right_arithmetic3A = arith.constant 23 : i32
        %shift_right_arithmetic3A_97 = vector.broadcast %shift_right_arithmetic3A : i32 to vector<16xi32>
        %shift_right_arithmetic3A_98 = arith.shrsi %add3A_96, %shift_right_arithmetic3A_97 : vector<16xi32>
        %sub3A_99 = arith.constant 127 : i32
        %sub3A_100 = vector.broadcast %sub3A_99 : i32 to vector<16xi32>
        %sub3A_101 = arith.subi %shift_right_arithmetic3A_98, %sub3A_100 : vector<16xi32>
        %and3A_102 = arith.constant 8388607 : i32
        %and3A_103 = vector.broadcast %and3A_102 : i32 to vector<16xi32>
        %and3A_104 = arith.andi %add3A_96, %and3A_103 : vector<16xi32>
        %add3A_105 = arith.constant 1060439283 : i32
        %add3A_106 = vector.broadcast %add3A_105 : i32 to vector<16xi32>
        %add3A_107 = arith.addi %and3A_104, %add3A_106 : vector<16xi32>
        %bitcast3A_108 = vector.bitcast %add3A_107 : vector<16xi32> to vector<16xf32>
        %sub3A_109 = arith.constant 1.000000e+00 : f32
        %sub3A_110 = vector.broadcast %sub3A_109 : f32 to vector<16xf32>
        %sub3A_111 = arith.subf %bitcast3A_108, %sub3A_110 : vector<16xf32>
        %mul3A_112 = arith.constant -0.206860453 : f32
        %mul3A_113 = vector.broadcast %mul3A_112 : f32 to vector<16xf32>
        %mul3A_114 = arith.mulf %mul3A_113, %sub3A_111 : vector<16xf32>
        %add3A_115 = arith.constant 0.318410575 : f32
        %add3A_116 = vector.broadcast %add3A_115 : f32 to vector<16xf32>
        %add3A_117 = arith.addf %mul3A_114, %add3A_116 : vector<16xf32>
        %mul3A_118 = arith.mulf %add3A_117, %sub3A_111 : vector<16xf32>
        %add3A_119 = arith.constant -0.366413713 : f32
        %add3A_120 = vector.broadcast %add3A_119 : f32 to vector<16xf32>
        %add3A_121 = arith.addf %mul3A_118, %add3A_120 : vector<16xf32>
        %mul3A_122 = arith.mulf %add3A_121, %sub3A_111 : vector<16xf32>
        %add3A_123 = arith.constant 0.479793638 : f32
        %add3A_124 = vector.broadcast %add3A_123 : f32 to vector<16xf32>
        %add3A_125 = arith.addf %mul3A_122, %add3A_124 : vector<16xf32>
        %mul3A_126 = arith.mulf %add3A_125, %sub3A_111 : vector<16xf32>
        %add3A_127 = arith.constant -0.721208453 : f32
        %add3A_128 = vector.broadcast %add3A_127 : f32 to vector<16xf32>
        %add3A_129 = arith.addf %mul3A_126, %add3A_128 : vector<16xf32>
        %mul3A_130 = arith.mulf %add3A_129, %sub3A_111 : vector<16xf32>
        %add3A_131 = arith.constant 1.4427017 : f32
        %add3A_132 = vector.broadcast %add3A_131 : f32 to vector<16xf32>
        %add3A_133 = arith.addf %mul3A_130, %add3A_132 : vector<16xf32>
        %mul3A_134 = arith.mulf %sub3A_111, %add3A_133 : vector<16xf32>
        %convert_element_type3A = arith.sitofp %sub3A_101 : vector<16xi32> to vector<16xf32>
        %add3A_135 = arith.addf %mul3A_134, %convert_element_type3A : vector<16xf32>
        %get3A_136 = arith.index_cast %mul3A_91 : i32 to index
        %get3A_137 = tpu.vector_load %arg5[%get3A_136] {strides = array<i32>} : memref<8192xf32, #tpu.memory_space<vmem>>, vector<16xf32>,
        %mul3A_138 = arith.mulf %add3A_135, %add3A_135 : vector<16xf32>
        %bitcast3A_139 = vector.bitcast %mul3A_138 : vector<16xf32> to vector<16xi32>
        %sub3A_140 = arith.constant 2129859011 : i32
        %sub3A_141 = vector.broadcast %sub3A_140 : i32 to vector<16xi32>
        %sub3A_142 = arith.subi %sub3A_141, %bitcast3A_139 : vector<16xi32>
        %bitcast3A_143 = vector.bitcast %sub3A_142 : vector<16xi32> to vector<16xf32>
        %mul3A_144 = arith.mulf %mul3A_138, %bitcast3A_143 : vector<16xf32>
        %sub3A_145 = arith.constant 2.000000e+00 : f32
        %sub3A_146 = vector.broadcast %sub3A_145 : f32 to vector<16xf32>
        %sub3A_147 = arith.subf %sub3A_146, %mul3A_144 : vector<16xf32>
        %mul3A_148 = arith.mulf %bitcast3A_143, %sub3A_147 : vector<16xf32>
        %mul3A_149 = arith.mulf %mul3A_138, %mul3A_148 : vector<16xf32>
        %sub3A_150 = arith.constant 2.000000e+00 : f32
        %sub3A_151 = vector.broadcast %sub3A_150 : f32 to vector<16xf32>
        %sub3A_152 = arith.subf %sub3A_151, %mul3A_149 : vector<16xf32>
        %mul3A_153 = arith.mulf %mul3A_148, %sub3A_152 : vector<16xf32>
        %mul3A_154 = arith.mulf %get3A_137, %mul3A_153 : vector<16xf32>
        %swap3A = arith.index_cast %mul3A_91 : i32 to index
        %swap3A_155 = tpu.vector_load %arg7[%swap3A] {strides = array<i32>} : memref<8192xf32, #tpu.memory_space<vmem>>, vector<16xf32>,
        tpu.vector_store %arg7[%swap3A], %mul3A_154 {strides = array<i32>} : memref<8192xf32, #tpu.memory_space<vmem>>, vector<16xf32>,
        %add3A_156 = arith.addf %scan3A_89, %mul3A_154 : vector<16xf32>
        scf.yield %add3A_156 : vector<16xf32>
      }
      %scan3A_61 = arith.constant 512 : i32
      %reduce_sum3A = arith.constant true
      %reduce_sum3A_62 = vector.broadcast %reduce_sum3A : i1 to vector<16xi1>
      %reduce_sum3A_63 = tpu.scan <sum>, %scan3A_60 masked %reduce_sum3A_62 : vector<16xf32>, vector<16xi1> -> vector<16xf32>
      %reduce_sum3A_64 = vector.extract %reduce_sum3A_63[15] : f32 from vector<16xf32>
      %broadcast_in_dim3A_65 = vector.broadcast %reduce_sum3A_64 : f32 to vector<16xf32>
      %bitcast3A = vector.bitcast %broadcast_in_dim3A_65 : vector<16xf32> to vector<16xi32>
      %sub3A_66 = arith.constant 2129859011 : i32
      %sub3A_67 = vector.broadcast %sub3A_66 : i32 to vector<16xi32>
      %sub3A_68 = arith.subi %sub3A_67, %bitcast3A : vector<16xi32>
      %bitcast3A_69 = vector.bitcast %sub3A_68 : vector<16xi32> to vector<16xf32>
      %mul3A_70 = arith.mulf %broadcast_in_dim3A_65, %bitcast3A_69 : vector<16xf32>
      %sub3A_71 = arith.constant 2.000000e+00 : f32
      %sub3A_72 = vector.broadcast %sub3A_71 : f32 to vector<16xf32>
      %sub3A_73 = arith.subf %sub3A_72, %mul3A_70 : vector<16xf32>
      %mul3A_74 = arith.mulf %bitcast3A_69, %sub3A_73 : vector<16xf32>
      %mul3A_75 = arith.mulf %broadcast_in_dim3A_65, %mul3A_74 : vector<16xf32>
      %sub3A_76 = arith.constant 2.000000e+00 : f32
      %sub3A_77 = vector.broadcast %sub3A_76 : f32 to vector<16xf32>
      %sub3A_78 = arith.subf %sub3A_77, %mul3A_75 : vector<16xf32>
      %mul3A_79 = arith.mulf %mul3A_74, %sub3A_78 : vector<16xf32>
      %scan3A_80 = arith.constant 0 : i32
      %scan3A_81 = arith.constant 0 : i32
      %scan3A_82 = arith.constant 512 : i32
      %scan3A_83 = arith.addi %scan3A_81, %scan3A_82 : i32
      %scan3A_84 = arith.constant 1 : i32
      %scan3A_85 = scf.for %scan3A_88 = %scan3A_81 to %scan3A_83 step %scan3A_84 iter_args(%scan3A_89 = %scan3A_80) -> (i32)  : i32 {
        %mul3A_90 = arith.constant 16 : i32
        %mul3A_91 = arith.muli %scan3A_88, %mul3A_90 : i32
        %get3A = arith.index_cast %mul3A_91 : i32 to index
        %get3A_92 = tpu.vector_load %arg8[%get3A] {strides = array<i32>} : memref<8192xf32, #tpu.memory_space<vmem>>, vector<16xf32>,
        %get3A_93 = arith.index_cast %mul3A_91 : i32 to index
        %get3A_94 = tpu.vector_load %arg7[%get3A_93] {strides = array<i32>} : memref<8192xf32, #tpu.memory_space<vmem>>, vector<16xf32>,
        %mul3A_95 = arith.mulf %get3A_94, %mul3A_79 : vector<16xf32>
        %max3A = arith.maximumf %get3A_92, %mul3A_95 : vector<16xf32>
        %swap3A = arith.index_cast %mul3A_91 : i32 to index
        %swap3A_96 = tpu.vector_load %arg8[%swap3A] {strides = array<i32>} : memref<8192xf32, #tpu.memory_space<vmem>>, vector<16xf32>,
        tpu.vector_store %arg8[%swap3A], %max3A {strides = array<i32>} : memref<8192xf32, #tpu.memory_space<vmem>>, vector<16xf32>,
        %scan3A_97 = arith.constant 0 : i32
        scf.yield %scan3A_97 : i32
      }
      %scan3A_86 = arith.constant 512 : i32
      %while3A_87 = arith.constant 0 : i32
      scf.yield %while3A_87 : i32
    }
    "tpu.region"() ({
      %run_scoped3A = tpu.sem_alloc : memref<!tpu.dma_semaphore, #tpu.memory_space<semaphore_mem>>
      %dma_start3A = arith.constant 0 : i32
      %dma_start3A_53 = tpu.memref_slice %arg4[%add3A, %dma_start3A] : memref<32x8192xf32, #tpu.memory_space<hbm>> -> memref<1x8192xf32, #tpu.memory_space<hbm>>
      %dma_start3A_54 = tpu.memref_squeeze %dma_start3A_53 : memref<1x8192xf32, #tpu.memory_space<hbm>> -> memref<8192xf32, #tpu.memory_space<hbm>>
      %dma_start3A_55 = arith.constant 0 : i32
      %dma_start3A_56 = tpu.memref_slice %arg4[%add3A, %dma_start3A_55] : memref<32x8192xf32, #tpu.memory_space<hbm>> -> memref<1x8192xf32, #tpu.memory_space<hbm>>
      %dma_start3A_57 = tpu.memref_squeeze %dma_start3A_56 : memref<1x8192xf32, #tpu.memory_space<hbm>> -> memref<8192xf32, #tpu.memory_space<hbm>>
      tpu.enqueue_dma source(%arg8 : memref<8192xf32, #tpu.memory_space<vmem>>) target(%dma_start3A_57 : memref<8192xf32, #tpu.memory_space<hbm>>) target_semaphore(%run_scoped3A : memref<!tpu.dma_semaphore, #tpu.memory_space<semaphore_mem>>)
      %dma_wait3A = arith.constant 0 : i32
      %dma_wait3A_58 = tpu.memref_slice %arg4[%add3A, %dma_wait3A] : memref<32x8192xf32, #tpu.memory_space<hbm>> -> memref<1x8192xf32, #tpu.memory_space<hbm>>
      %dma_wait3A_59 = tpu.memref_squeeze %dma_wait3A_58 : memref<1x8192xf32, #tpu.memory_space<hbm>> -> memref<8192xf32, #tpu.memory_space<hbm>>
      %dma_wait3A_60 = arith.constant 0 : i32
      %dma_wait3A_61 = tpu.memref_slice %arg4[%add3A, %dma_wait3A_60] : memref<32x8192xf32, #tpu.memory_space<hbm>> -> memref<1x8192xf32, #tpu.memory_space<hbm>>
      %dma_wait3A_62 = tpu.memref_squeeze %dma_wait3A_61 : memref<1x8192xf32, #tpu.memory_space<hbm>> -> memref<8192xf32, #tpu.memory_space<hbm>>
      tpu.wait_dma2 semaphore(%run_scoped3A : memref<!tpu.dma_semaphore, #tpu.memory_space<semaphore_mem>>) src(%arg8 : memref<8192xf32, #tpu.memory_space<vmem>>) dst(%dma_wait3A_62 : memref<8192xf32, #tpu.memory_space<hbm>>)
      tpu.yield
    }) : () -> ()
    return
  }
}

module attributes {stable_mosaic.version = 14 : i64} {
  func.func @_combine_body(%arg0: i32, %arg1: memref<1x16x8192xf32, #tpu.memory_space<vmem>>, %arg2: memref<1x1x8192xf32, #tpu.memory_space<vmem>>) attributes {dimension_semantics = [#tpu.dimension_semantics<arbitrary>], iteration_bounds = array<i64: 2>, scalar_prefetch = 0 : i64, scratch_operands = 0 : i64, tpu.core_type = #tpu.core_type<tc>, window_params = [{transform_indices = @transform_0, window_bounds = array<i64: 1, 16, 8192>}, {transform_indices = @transform_1, window_bounds = array<i64: 1, 1, 8192>}]} {
    %get3A = arith.constant 0 : index
    %get3A_0 = arith.constant 0 : index
    %get3A_1 = arith.constant 0 : index
    %get3A_2 = vector.load %arg1[%get3A, %get3A_0, %get3A_1] : memref<1x16x8192xf32, #tpu.memory_space<vmem>>, vector<1x16x8192xf32>
    %get3A_3 = vector.shape_cast %get3A_2 : vector<1x16x8192xf32> to vector<16x8192xf32>
    %reduce_max3A = arith.constant dense<0xFF800000> : vector<8192xf32>
    %reduce_max3A_4 = vector.multi_reduction <maximumf>, %get3A_3, %reduce_max3A [0] : vector<16x8192xf32> to vector<8192xf32>
    %broadcast_in_dim3A = vector.shape_cast %reduce_max3A_4 : vector<8192xf32> to vector<1x8192xf32>
    %swap3A = arith.constant 0 : index
    %swap3A_5 = arith.constant 0 : index
    %swap3A_6 = arith.constant 0 : index
    %swap3A_7 = vector.load %arg2[%swap3A, %swap3A_5, %swap3A_6] : memref<1x1x8192xf32, #tpu.memory_space<vmem>>, vector<1x1x8192xf32>
    %swap3A_8 = vector.shape_cast %swap3A_7 : vector<1x1x8192xf32> to vector<1x8192xf32>
    %swap3A_9 = vector.shape_cast %broadcast_in_dim3A : vector<1x8192xf32> to vector<1x1x8192xf32>
    tpu.vector_store %arg2[%swap3A, %swap3A_5, %swap3A_6], %swap3A_9 {strides = array<i32>} : memref<1x1x8192xf32, #tpu.memory_space<vmem>>, vector<1x1x8192xf32>,
    return
  }
  func.func @transform_0(%arg0: i32) -> (i32, i32, i32) {
    %c0_i32 = arith.constant 0 : i32
    %c0_i32_0 = arith.constant 0 : i32
    %c0_i32_1 = arith.constant 0 : i32
    return %arg0, %c0_i32, %c0_i32_0 : i32, i32, i32
  }
  func.func @transform_1(%arg0: i32) -> (i32, i32, i32) {
    %c0_i32 = arith.constant 0 : i32
    %c0_i32_0 = arith.constant 0 : i32
    %c0_i32_1 = arith.constant 0 : i32
    return %arg0, %c0_i32, %c0_i32_0 : i32, i32, i32
  }
}

module attributes {stable_mosaic.version = 14 : i64} {
  func.func @_tc_body(%arg0: i32, %arg1: memref<1x1x8192xf32, #tpu.memory_space<vmem>>, %arg2: memref<1x64x8192xf32, #tpu.memory_space<vmem>>, %arg3: memref<1x1x8192xf32, #tpu.memory_space<vmem>>, %arg4: memref<64x8192xf32, #tpu.memory_space<vmem>>) attributes {dimension_semantics = [#tpu.dimension_semantics<arbitrary>], iteration_bounds = array<i64: 30>, scalar_prefetch = 0 : i64, scratch_operands = 1 : i64, tpu.core_type = #tpu.core_type<tc>, window_params = [{transform_indices = @transform_0, window_bounds = array<i64: 1, 1, 8192>}, {transform_indices = @transform_1, window_bounds = array<i64: 1, 64, 8192>}, {transform_indices = @transform_2, window_bounds = array<i64: 1, 1, 8192>}]} {
    %get3A = arith.constant 0 : index
    %get3A_0 = arith.constant 0 : index
    %get3A_1 = arith.constant 0 : index
    %get3A_2 = vector.load %arg1[%get3A, %get3A_0, %get3A_1] : memref<1x1x8192xf32, #tpu.memory_space<vmem>>, vector<1x1x8192xf32>
    %get3A_3 = vector.shape_cast %get3A_2 : vector<1x1x8192xf32> to vector<1x8192xf32>
    %mul3A = arith.constant 2.000000e+00 : f32
    %mul3A_4 = vector.broadcast %mul3A : f32 to vector<1x8192xf32>
    %mul3A_5 = arith.mulf %mul3A_4, %get3A_3 : vector<1x8192xf32>
    %exp3A = math.exp %mul3A_5 : vector<1x8192xf32>
    %get3A_6 = arith.constant 0 : index
    %get3A_7 = arith.constant 0 : index
    %get3A_8 = arith.constant 0 : index
    %get3A_9 = vector.load %arg2[%get3A_6, %get3A_7, %get3A_8] : memref<1x64x8192xf32, #tpu.memory_space<vmem>>, vector<1x64x8192xf32>
    %get3A_10 = vector.shape_cast %get3A_9 : vector<1x64x8192xf32> to vector<64x8192xf32>
    %log3A = math.log %get3A_10 : vector<64x8192xf32>
    %mul3A_11 = arith.mulf %log3A, %log3A : vector<64x8192xf32>
    %div3A = arith.constant 1.000000e+00 : f32
    %div3A_12 = vector.broadcast %div3A : f32 to vector<64x8192xf32>
    %div3A_13 = arith.divf %div3A_12, %mul3A_11 : vector<64x8192xf32>
    %mul3A_14 = vector.broadcast %exp3A : vector<1x8192xf32> to vector<64x8192xf32>
    %mul3A_15 = arith.mulf %div3A_13, %mul3A_14 : vector<64x8192xf32>
    %swap3A = arith.constant 0 : index
    %swap3A_16 = arith.constant 0 : index
    %swap3A_17 = vector.load %arg4[%swap3A, %swap3A_16] : memref<64x8192xf32, #tpu.memory_space<vmem>>, vector<64x8192xf32>
    tpu.vector_store %arg4[%swap3A, %swap3A_16], %mul3A_15 {strides = array<i32>} : memref<64x8192xf32, #tpu.memory_space<vmem>>, vector<64x8192xf32>,
    %reduce_sum3A = arith.constant dense<0.000000e+00> : vector<64xf32>
    %reduce_sum3A_18 = vector.multi_reduction <add>, %mul3A_15, %reduce_sum3A [1] : vector<64x8192xf32> to vector<64xf32>
    %broadcast_in_dim3A = vector.shape_cast %reduce_sum3A_18 : vector<64xf32> to vector<64x1xf32>
    %get3A_19 = arith.constant 0 : index
    %get3A_20 = arith.constant 0 : index
    %get3A_21 = vector.load %arg4[%get3A_19, %get3A_20] : memref<64x8192xf32, #tpu.memory_space<vmem>>, vector<64x8192xf32>
    %div3A_22 = arith.constant 1.000000e+00 : f32
    %div3A_23 = vector.broadcast %div3A_22 : f32 to vector<64x1xf32>
    %div3A_24 = arith.divf %div3A_23, %broadcast_in_dim3A : vector<64x1xf32>
    %mul3A_25 = vector.broadcast %div3A_24 : vector<64x1xf32> to vector<64x8192xf32>
    %mul3A_26 = arith.mulf %get3A_21, %mul3A_25 : vector<64x8192xf32>
    %reduce_max3A = arith.constant dense<0xFF800000> : vector<8192xf32>
    %reduce_max3A_27 = vector.multi_reduction <maximumf>, %mul3A_26, %reduce_max3A [0] : vector<64x8192xf32> to vector<8192xf32>
    %broadcast_in_dim3A_28 = vector.shape_cast %reduce_max3A_27 : vector<8192xf32> to vector<1x8192xf32>
    %swap3A_29 = arith.constant 0 : index
    %swap3A_30 = arith.constant 0 : index
    %swap3A_31 = arith.constant 0 : index
    %swap3A_32 = vector.load %arg3[%swap3A_29, %swap3A_30, %swap3A_31] : memref<1x1x8192xf32, #tpu.memory_space<vmem>>, vector<1x1x8192xf32>
    %swap3A_33 = vector.shape_cast %swap3A_32 : vector<1x1x8192xf32> to vector<1x8192xf32>
    %swap3A_34 = vector.shape_cast %broadcast_in_dim3A_28 : vector<1x8192xf32> to vector<1x1x8192xf32>
    tpu.vector_store %arg3[%swap3A_29, %swap3A_30, %swap3A_31], %swap3A_34 {strides = array<i32>} : memref<1x1x8192xf32, #tpu.memory_space<vmem>>, vector<1x1x8192xf32>,
    return
  }
  func.func @transform_0(%arg0: i32) -> (i32, i32, i32) {
    %c0_i32 = arith.constant 0 : i32
    %c0_i32_0 = arith.constant 0 : i32
    %c0_i32_1 = arith.constant 0 : i32
    return %arg0, %c0_i32, %c0_i32_0 : i32, i32, i32
  }
  func.func @transform_1(%arg0: i32) -> (i32, i32, i32) {
    %c0_i32 = arith.constant 0 : i32
    %c0_i32_0 = arith.constant 0 : i32
    %c0_i32_1 = arith.constant 0 : i32
    return %arg0, %c0_i32, %c0_i32_0 : i32, i32, i32
  }
  func.func @transform_2(%arg0: i32) -> (i32, i32, i32) {
    %c0_i32 = arith.constant 0 : i32
    %c0_i32_0 = arith.constant 0 : i32
    %c0_i32_1 = arith.constant 0 : i32
    return %arg0, %c0_i32, %c0_i32_0 : i32, i32, i32
  }
}

</mosaic_0001>

<sc_bundles>
// kernel: kernel.5.cloned.1.call-start
scs
__scs_entry_jumppad:
0x0: {  	(pc) =	sbr.rel $0x88, $3  }
0x1: {  	(tag) =	ssettag $0x0;
	lr =	simm.s32 $0x1  }
0x2: {  	[smem:$0x3F9F] =	sst lr;
	_ =	strace $0xD0000000  }
0x3: {  	_ = 	snop  }
0x4: {  	_ = 	snop  }
0x5: {  	_ = 	snop  }
0x6: {  	_ = 	snop  }
0x7: {  	_ = 	snop  }
__scs_overlays_trampoline_lowered:
0x8: {  	[smem:$0x3FAE] =	sst s0  }
0x9: {  	[smem:$0x3FAF] =	sst s1  }
0xa: {  	[smem:$0x3FB0] =	sst s2  }
0xb: {  	[smem:$0x3FB1] =	sst s3  }
0xc: {  	[smem:$0x3FB2] =	sst s4  }
0xd: {  	[smem:$0x3FB3] =	sst s5  }
0xe: {  	[smem:$0x3FB4] =	sst s6  }
0xf: {  	[smem:$0x3FB5] =	sst s7  }
0x10: {  	[smem:$0x3FB6] =	sst s8  }
0x11: {  	[smem:$0x3FB7] =	sst s9;
	s0 =	simm.s32 @!p0 $0x0  }
0x12: {  	s1 =	sld [smem:$0x3F9D];
	s0 =	simm.s32 @p0 $0x1  }
0x13: {  	[smem:$0x3FB8] =	sst s0;
	s0 =	simm.s32 @!p1 $0x0  }
0x14: {  	s2 =	sld [smem:$0x3F9C];
	s0 =	simm.s32 @p1 $0x1  }
0x15: {  	[smem:$0x3FB9] =	sst s0;
	s0 =	simm.s32 @!p2 $0x0  }
0x16: {  	s3 =	sld [smem:$0x3FDB];
	s0 =	simm.s32 @p2 $0x1  }
0x17: {  	s4 =	simm.s32 $0x1BF5;
	[smem:$0x3FBB] =	sst s0  }
0x18: {  	s0 =	sld [smem:$0x3F9E];
	_ =	swait.ge [sflag:s4], $0x0  }
0x19: {  	s7 =	sld [smem:$0x3F9F]  }
0x1a: {  	s8 =	sadd.s32 $0xFFFFE003, lr  }
0x1b: {  	s9 =	sadd.s32 $0xFFFFFEF7, lr;
	s5 =	simm.s32 $0xFFFFFFFF;
	p2 =	slt.u32 s8, $0xFFFFF086  }
0x1c: {  	p1 =	slt.u32 s9, $0xF7A;
	s5 =	simm.s32 @!p2 $0x0  }
0x1d: {  	s5 =	simm.s32 @p1 $0x1;
	p0 =	seq.s32 s7, s2  }
0x1e: {  	s7 =	smul.u32 @!p0 $0xF7A, s2;
	p2 =	seq.s32 @!p0 s5, $0x0  }
0x1f: {  	s9 =	smul.u32 $0xF7A, s1;
	s8 =	simm.s32 @!p0 $0x1BF5;
	p2 =	por !p2, p0  }
0x20: {  	[sflag:s8] =	ssyncset.s32 @!p0 $0xFFFFF086;
	s6 =	sadd.s32 @!p0 s3, s7;
	s7 =	simm.s32 @!p0 $0x108  }
0x21: {  	s3 =	sadd.s32 s3, s9;
	s6 =	sadd.s32 @!p0 $0x88, s6;
	s7 =	simm.s32 @p2 $0x1082  }
0x22: {  	[simem:s7], [sflag:s8] =	dma.local @!p0 [hbm:s6], $0xF7A  }
0x23: {  	s9 =	sor.u32 $0xD0000000, s2;
	s6 =	simm.s32 $0x108;
	_ =	swait.ge @!p0 [sflag:s8], $0x0  }
0x24: {  	s3 =	sadd.s32 $0x88, s3;
	s6 =	simm.s32 @!p1 $0x1082;
	[sflag:s4] =	ssyncset.s32 $0xFFFFF086  }
0x25: {  	[simem:s6], [sflag:s4] =	dma.local [hbm:s3], $0xF7A  }
0x26: {  	[smem:$0x3F9F] =	sst s1;
	(tag) =	ssettag s2;
	_ =	strace s9  }
0x27: {  	s1 =	sld [smem:$0x3FAF]  }
0x28: {  	s2 =	sld [smem:$0x3FB0]  }
0x29: {  	s4 =	sld [smem:$0x3FB2]  }
0x2a: {  	p0 =	seq.s32 s5, $0x0;
	s5 =	sld [smem:$0x3FB3]  }
0x2b: {  	s6 =	sld [smem:$0x3FB4]  }
0x2c: {  	s7 =	sld [smem:$0x3FB5]  }
0x2d: {  	s3 =	simm.s32 $0x108;
	s8 =	sld [smem:$0x3FB6]  }
0x2e: {  	s3 =	simm.s32 @!p0 $0x1082;
	s9 =	sld [smem:$0x3FB7]  }
0x2f: {  	lr =	sadd.s32 s0, s3;
	s0 =	sld [smem:$0x3FAE]  }
0x30: {  	s3 =	sld [smem:$0x3FB1]  }
0x31: {  	[smem:$0x3FBA] =	sst s10  }
0x32: {  	s10 =	sld [smem:$0x3FB8];
	_ =	sdelay $0x3  }
0x33: {  	p0 =	seq.s32 s10, $0x1;
	s10 =	sld [smem:$0x3FBA];
	_ =	sdelay $0x3  }
0x34: {  	[smem:$0x3FBA] =	sst s10  }
0x35: {  	s10 =	sld [smem:$0x3FB9];
	_ =	sdelay $0x3  }
0x36: {  	p1 =	seq.s32 s10, $0x1;
	s10 =	sld [smem:$0x3FBA];
	_ =	sdelay $0x3  }
0x37: {  	[smem:$0x3FBA] =	sst s10  }
0x38: {  	s10 =	sld [smem:$0x3FBB]  }
0x39: {  	_ = 	snop;
	(pc) =	sbr.ind lr, $3  }
0x3a: {  	_ = 	snop  }
0x3b: {  	_ = 	snop  }
0x3c: {  	p2 =	seq.s32 s10, $0x1;
	s10 =	sld [smem:$0x3FBA]  }
0x3d: {  	_ =	shalt  }
0x3e: {  	_ =	shalt  }
0x3f: {  	_ =	shalt  }
0x40: {  	_ =	shalt  }
0x41: {  	_ =	shalt  }
0x42: {  	_ =	shalt  }
0x43: {  	_ =	shalt  }
0x44: {  	_ =	shalt  }
0x45: {  	_ =	shalt  }
0x46: {  	_ =	shalt  }
0x47: {  	_ =	shalt  }
0x48: {  	_ =	shalt  }
0x49: {  	_ =	shalt  }
0x4a: {  	_ =	shalt  }
0x4b: {  	_ =	shalt  }
0x4c: {  	_ =	shalt  }
0x4d: {  	_ =	shalt  }
0x4e: {  	_ =	shalt  }
0x4f: {  	_ =	shalt  }
0x50: {  	_ =	shalt  }
0x51: {  	_ =	shalt  }
0x52: {  	_ =	shalt  }
0x53: {  	_ =	shalt  }
0x54: {  	_ =	shalt  }
0x55: {  	_ =	shalt  }
0x56: {  	_ =	shalt  }
0x57: {  	_ =	shalt  }
0x58: {  	_ =	shalt  }
0x59: {  	_ =	shalt  }
0x5a: {  	_ =	shalt  }
0x5b: {  	_ =	shalt  }
0x5c: {  	_ =	shalt  }
0x5d: {  	_ =	shalt  }
0x5e: {  	_ =	shalt  }
0x5f: {  	_ =	shalt  }
0x60: {  	_ =	shalt  }
0x61: {  	_ =	shalt  }
0x62: {  	_ =	shalt  }
0x63: {  	_ =	shalt  }
0x64: {  	_ =	shalt  }
0x65: {  	_ =	shalt  }
0x66: {  	_ =	shalt  }
0x67: {  	_ =	shalt  }
0x68: {  	_ =	shalt  }
0x69: {  	_ =	shalt  }
0x6a: {  	_ =	shalt  }
0x6b: {  	_ =	shalt  }
0x6c: {  	_ =	shalt  }
0x6d: {  	_ =	shalt  }
0x6e: {  	_ =	shalt  }
0x6f: {  	_ =	shalt  }
0x70: {  	_ =	shalt  }
0x71: {  	_ =	shalt  }
0x72: {  	_ =	shalt  }
0x73: {  	_ =	shalt  }
0x74: {  	_ =	shalt  }
0x75: {  	_ =	shalt  }
0x76: {  	_ =	shalt  }
0x77: {  	_ =	shalt  }
0x78: {  	_ =	shalt  }
0x79: {  	_ =	shalt  }
0x7a: {  	_ =	shalt  }
0x7b: {  	_ =	shalt  }
0x7c: {  	_ =	shalt  }
0x7d: {  	_ =	shalt  }
0x7e: {  	_ =	shalt  }
0x7f: {  	_ =	shalt  }
0x80: {  	_ =	shalt  }
0x81: {  	_ =	shalt  }
0x82: {  	_ =	shalt  }
0x83: {  	_ =	shalt  }
0x84: {  	_ =	shalt  }
0x85: {  	_ =	shalt  }
0x86: {  	_ =	shalt  }
0x87: {  	_ =	shalt  }
.Lfunc_end0:
.L_simem_size_0:
called_computation_lowered:
.L_overlay_start_0:
0x88: {  	s2 =	sld [smem:$0x3FD9]  }
0x89: {  	s3 =	sld [smem:$0x3FFE];
	_ =	sdelay $0x1  }
0x8a: {  	s1 =	srdreg.scid  }
0x8b: {  	s0 =	sand.u32 $0x1, s1  }
0x8c: {  	s18 =	sshll.u32 s0, $0xA;
	s2 =	sadd.s32 s3, s2  }
0x8d: {  	s2 =	sadd.s32 s2, s18  }
0x8e: {  	[smem:$0x3FC6] =	sst s2  }
0x8f: {  	_ = 	snop  }
0x90: {  	s2 =	sld [smem:$0x3FC9]  }
0x91: {  	s19 =	sld [smem:$0x3FC8]  }
0x92: {  	s4 =	sld [smem:$0x3FD0];
	(tm) =	ssettm $0x1  }
0x93: {  	s5 =	sld [smem:$0x3FFB];
	_ =	sdelay $0x3  }
0x94: {  	_ =	strace s5  }
0x95: {  	s5 =	sld [smem:$0x3FFC];
	_ =	sdelay $0x3  }
0x96: {  	_ =	strace s5  }
0x97: {  	s5 =	sld [smem:$0x3FFD];
	_ =	sdelay $0x3  }
0x98: {  	_ =	strace s5  }
0x99: {  	_ =	strace $0x8FFFFFFF  }
0x9a: {  	s20 =	sld [smem:$0x3FDB];
	_ =	sdelay $0x1  }
0x9b: {  	s6 =	simm.s32 $_scs_section_size  }
0x9c: {  	s7 =	simm.s32 $_size__tile_overlayer_lowered;
	s8 =	simm.s32 $_tile_overlayer_lowered  }
0x9d: {  	s23 =	simm.s32 $0x1BFF;
	s22 =	sshll.u32 s8, $0x1;
	s5 =	sadd.s32 s6, s20  }
0x9e: {  	s9 =	simm.s32 $0x0;
	s21 =	sshll.u32 s7, $0x1;
	s7 =	sadd.s32 s22, s5  }
0x9f: {  	[timem:s9], [sflag:s23] =	dma.local [hbm:s7], s21  }
0xa0: {  	_ =	swait.ge [sflag:s23], s21  }
0xa1: {  	s6 =	ssub.s32 $0x0, s21;
	[sflag:s23] =	ssyncset.done $0x0  }
0xa2: {  	[sflag:s23] =	ssyncadd.s32 s6;
	_ =	sdelay $0x1  }
0xa3: {  	s24 =	simm.s32 $0x1B8B  }
0xa4: {  	_ =	swait.ge [sflag:s24], $0x1  }
0xa5: {  	[sflag:s24] =	ssyncset.done $0x0  }
0xa6: {  	s25 =	simm.s32 $0x1B8E;
	[sflag:s24] =	ssyncadd.s32 $0xFFFFFFFF  }
0xa7: {  	s26 =	simm.s32 $execute0_lowered;
	[smem:$0x3FD2] =	sst s25  }
0xa8: {  	s6 =	sshll.u32 s26, $0x1;
	_ =	strace $0x80000046;
	[dreg:$0x1] =	wrdreg $0xFFFFFFFF  }
0xa9: {  	s28 =	simm.s32 $_size_execute0_lowered;
	s5 =	sadd.s32 s5, s6;
	[dreg:$0x0] =	wrdreg $0x0  }
0xaa: {  	s6 =	sshll.u32 s28, $0x1;
	[dreg:$0x2] =	wrdreg s5  }
0xab: {  	[dreg:$0x3] =	wrdreg s6  }
0xac: {  	[dreg:$0x4] =	wrdreg $0xC0  }
0xad: {  	_ =	task [dreg:s9], $0x5FFFF  }
0xae: {  	[dreg:$0x1] =	wrdreg $0xFFFFFFFF  }
0xaf: {  	[dreg:$0x0] =	wrdreg $0x60  }
0xb0: {  	[dreg:$0x2] =	wrdreg s2  }
0xb1: {  	[dreg:$0x3] =	wrdreg s19  }
0xb2: {  	[dreg:$0x4] =	wrdreg s4  }
0xb3: {  	[dreg:$0x5] =	wrdreg $0x9  }
0xb4: {  	_ =	task.clear_ibuf [dreg:s9], $0x6FFFF;
	_ =	strace $0x90000046  }
0xb5: {  	s29 =	simm.s32 $0x9;
	_ =	strace $0x80000048  }
0xb6: {  	_ =	swait.ge [sflag:s29], $0x1  }
0xb7: {  	[sflag:s29] =	ssyncadd.s32 $0xFFFFFFFF  }
0xb8: {  	_ =	strace $0x90000048  }
0xb9: {  	_ =	sfence  }
0xba: {  	s30 =	sld [smem:$0x0];
	_ =	sdelay $0x2  }
0xbb: {  	s31 =	sshll.u32 s1, $0xD;
	s1 =	sshrl.u32 s1, $0x2  }
0xbc: {  	s3 =	sand.u32 $0x4000, s31;
	s1 =	sadd.s32 s1, s30  }
0xbd: {  	s0 =	sor.u32 s3, s0;
	s1 =	sshll.u32 s1, $0x11  }
0xbe: {  	s0 =	sor.u32 s1, s0  }
0xbf: {  	s0 =	sadd.s32 $0x8F2B, s0  }
0xc0: {  	[sflag:s0] =	ssyncadd.remote.s32 $0x1  }
0xc1: {  	_ =	sfence.sel $0xFFFF  }
0xc2: {  	[dreg:$0x0] =	wrdreg $0xFFFFFFFF;
	(pc) =	sbr.abs _section_cstart, $3  }
0xc3: {  	[dreg:$0x1] =	wrdreg $0xFFFFFFFF  }
0xc4: {  	_ =	task.clear_ibuf [dreg:s9], $0x2FFFF;
	_ =	strace $0x9FFFFFFF  }
0xc5: {  	(tm) =	ssettm $0x7FFFFFFF  }
tec
execute0_lowered:
.L_overlay_start_1:
0x0: {  	(tag) =	ssettag $0x1  }
0x1: {  	s5 =	rddreg [dreg:$0x0]  }
0x2: {  	s1 =	rddreg [dreg:$0x1]  }
0x3: {  	s7 =	rddreg [dreg:$0x2]  }
0x4: {  	s0 =	rddreg [dreg:$0x3]  }
0x5: {  	s3 =	simm.s32 $0x0;
	s2 =	stileid.u32;
	s4 =	srdreg.scid  }
0x6: {  	s14 =	simm.s32 $0x6000;
	s15 =	simm.s32 $0x0;
	[smem:$0x7FF] =	sst s3  }
0x7: {  	s6 =	sshrl.u32 s2, $0x3;
	s8 =	sand.u32 $0x1, s4;
	s9 =	sshll.u32 s2, $0x1  }
0x8: {  	s31 =	sshll.u32 s2, $0xB;
	_ =	strace $0x80000047;
	s6 =	sor.u32 $0x1E, s6  }
0x9: {  	s4 =	ssub.s32 $0x2, s8;
	s10 =	sor.u32 s8, s9;
	s9 =	sand.u32 $0xE, s9  }
0xa: {  	s11 =	sshll.u32 s6, $0x4;
	s12 =	sshrl.u32 s4, $0x1;
	s13 =	sshll.u32 s10, $0x2  }
0xb: {  	s6 =	sshll.u32 s6, $0x13;
	s10 =	sshll.u32 s10, $0x4;
	s9 =	sor.u32 s8, s9  }
0xc: {  	s11 =	sand.u32 $0x70, s11;
	s12 =	ssub.s32 s4, s12;
	s4 =	sand.u32 $0x3C, s13  }
0xd: {  	s10 =	sand.u32 $0x70, s10;
	s9 =	sshllo.u32 s9, $0x2;
	s13 =	simm.s32 $0x2000  }
0xe: {  	s5 =	sadd.s32 s11, s5;
	s11 =	sand.u32 $0x6000, s31;
	s8 =	smax.u32 s12, $0x1  }
0xf: {  	s12 =	simm.s32 $0x1;
	s5 =	sadd.s32 $0x6000, s5;
	s7 =	sadd.s32 s7, s11  }
0x10: {  	v0 =	vimm.f32 $0.0e+00;
	s11 =	simm.s32 $0x400;
	s7 =	sadd.s32 s10, s7;
	s10 =	simm.s32 $0x80  }
.LBB2_1:
0x11: {  	[tilespmem:s3], [sflag:$0x1] =	stream.strided.gather [hbm4b:s5+s10], $0x2000, s11, s10, $0x38;
	[tilespmem:$0x8000] =	vst v63  }
0x12: {  	_ =	swait.ge [sflag:s12], $0x2000  }
0x13: {  	[sflag:s12] =	ssyncset.done $0x0  }
0x14: {  	s16 =	simm.s32 $0x0;
	s17 =	simm.s32 $0x40;
	[sflag:s12] =	ssyncadd.s32 $0xFFFFE000  }
.LBB2_2:
0x15: {  	p0 =	sne.s32 s17, $0x7FC0;
	v1 =	vld [tilespmem:s16+$0x0];
	[tilespmem:s16+$0x6000] =	vst v0;
	_ =	sdelay $0x4  }
0x16: {  	v1 =	vadd.f32 v1, v1;
	_ =	sdelay $0x1  }
0x17: {  	v1 =	vmul.f32 $1.442695020e+00, v1;
	_ =	sdelay $0x1  }
0x18: {  	(erf) = vpow2.f32 v1;
	_ =	sdelay $0x5  }
.Ltmp0:
0x19: {  	(pc) =	sbr.rel @p0 .LBB2_2-.Ltmp0, $3  }
0x1a: {  	_ =	sdelay $0x1  }
0x1b: {  	v1 =	vpop (erf)  }
0x1c: {  	[tilespmem:s16+$0x0] =	vst v1;
	s16 =	sshra.s32 s17, $0x2;
	s17 =	sadd.s32 $0x40, s17  }
0x1d: {  	v1 =	vld [tilespmem:s16+$0x0];
	_ =	sdelay $0x4  }
0x1e: {  	v1 =	vadd.f32 v1, v1;
	_ =	sdelay $0x1  }
0x1f: {  	v1 =	vmul.f32 $1.442695020e+00, v1;
	_ =	sdelay $0x1  }
0x20: {  	(erf) = vpow2.f32 v1;
	_ =	sdelay $0x8  }
0x21: {  	[tilespmem:s16+$0x6000] =	vst v0;
	v1 =	vpop (erf)  }
0x22: {  	[tilespmem:s16+$0x0] =	vst v1;
	s16 =	smov.u32 s4  }
.LBB2_4:
0x23: {  	s17 =	sshll.u32 s16, $0xD  }
0x24: {  	s18 =	sshll.u32 s16, $0x7;
	s17 =	sand.u32 $0xFFFF0000, s17  }
0x25: {  	s18 =	sand.u32 $0x380, s18;
	s17 =	sadd.s32 s6, s17  }
0x26: {  	s17 =	sor.u32 s18, s17  }
0x27: {  	s17 =	sshrl.u32 s17, $0x3  }
0x28: {  	s17 =	sadd.s32 s1, s17  }
0x29: {  	[tilespmem:s13], [sflag:$0x1] =	stream.strided.gather [hbm4b:s17+s10], $0x2000, s11, s10, $0x38;
	[tilespmem:$0x8000] =	vst v63  }
0x2a: {  	_ =	swait.ge [sflag:s12], $0x2000  }
0x2b: {  	[sflag:s12] =	ssyncset.done $0x0  }
0x2c: {  	s21 =	simm.s32 $0x0;
	[sflag:s12] =	ssyncadd.s32 $0xFFFFE000  }
0x2d: {  	v1 =	vld [tilespmem:s21+$0x2000];
	_ =	sdelay $0x4  }
0x2e: {  	v1 =	vadd.s32 $0x4AFB0D, v1  }
0x2f: {  	v2 =	vand.u32 $0x7FFFFF, v1  }
0x30: {  	v2 =	vadd.s32 $0x3F3504F3, v2  }
0x31: {  	s20 =	simm.s32 $0x10;
	v2 =	vadd.f32 $-1.000000000e+00, v2  }
0x32: {  	v3 =	vld [tilespmem:s20+$0x2000]  }
0x33: {  	v4 =	vmul.f32 $-2.068604530e-01, v2;
	_ =	sdelay $0x1  }
0x34: {  	v4 =	vadd.f32 $3.184105750e-01, v4;
	_ =	sdelay $0x1  }
0x35: {  	v5 =	vadd.s32 $0x4AFB0D, v3;
	v4 =	vmul.f32 v4, v2  }
0x36: {  	v3 =	vand.u32 $0x7FFFFF, v5  }
0x37: {  	v3 =	vadd.s32 $0x3F3504F3, v3;
	v4 =	vadd.f32 $-3.664137130e-01, v4  }
0x38: {  	v6 =	vadd.f32 $-1.000000000e+00, v3  }
0x39: {  	v3 =	vmul.f32 v4, v2  }
0x3a: {  	s17 =	simm.s32 $0x20;
	v7 =	vmul.f32 $-2.068604530e-01, v6  }
0x3b: {  	v4 =	vld [tilespmem:s17+$0x2000];
	v3 =	vadd.f32 $4.797936380e-01, v3  }
0x3c: {  	v7 =	vadd.f32 $3.184105750e-01, v7  }
0x3d: {  	v3 =	vmul.f32 v3, v2  }
0x3e: {  	v7 =	vmul.f32 v7, v6  }
0x3f: {  	v3 =	vadd.f32 $-7.212084530e-01, v3  }
0x40: {  	v7 =	vadd.f32 $-3.664137130e-01, v7;
	v8 =	vadd.s32 $0x4AFB0D, v4  }
0x41: {  	v4 =	vand.u32 $0x7FFFFF, v8;
	v9 =	vmul.f32 v3, v2  }
0x42: {  	v1 =	vshra.s32 v1, $0x17;
	v7 =	vmul.f32 v7, v6;
	v3 =	vadd.s32 $0x3F3504F3, v4  }
0x43: {  	s18 =	simm.s32 $0x30;
	v1 =	vadd.s32 $0xFFFFFF81, v1;
	v3 =	vadd.f32 $-1.000000000e+00, v3;
	v9 =	vadd.f32 $1.442701700e+00, v9  }
0x44: {  	v1 =	vcvt.s32.f32 v1;
	v7 =	vadd.f32 $4.797936380e-01, v7;
	v4 =	vld [tilespmem:s18+$0x2000]  }
0x45: {  	v10 =	vmul.f32 $-2.068604530e-01, v3;
	v2 =	vmul.f32 v9, v2  }
0x46: {  	v7 =	vmul.f32 v7, v6  }
0x47: {  	v9 =	vadd.f32 $3.184105750e-01, v10;
	v1 =	vadd.f32 v1, v2  }
0x48: {  	v7 =	vadd.f32 $-7.212084530e-01, v7  }
0x49: {  	v2 =	vadd.s32 $0x4AFB0D, v4;
	v4 =	vmul.f32 v9, v3;
	v9 =	vmul.f32 v1, v1  }
0x4a: {  	v7 =	vmul.f32 v7, v6;
	v1 =	vshra.s32 v5, $0x17  }
0x4b: {  	v5 =	vand.u32 $0x7FFFFF, v2;
	v10 =	vadd.f32 $-3.664137130e-01, v4;
	v11 =	vsub.s32 $0x7EF311C3, v9  }
0x4c: {  	s19 =	simm.s32 $0x40;
	v7 =	vadd.f32 $1.442701700e+00, v7;
	v4 =	vadd.s32 $0x3F3504F3, v5;
	v5 =	vmul.f32 v11, v9  }
0x4d: {  	v12 =	vld [tilespmem:s19+$0x2000];
	v4 =	vadd.f32 $-1.000000000e+00, v4;
	v10 =	vmul.f32 v10, v3  }
0x4e: {  	v6 =	vmul.f32 v7, v6;
	v1 =	vadd.s32 $0xFFFFFF81, v1;
	v5 =	vsub.f32 $2.000000000e+00, v5  }
0x4f: {  	v13 =	vcvt.s32.f32 v1;
	v14 =	vmul.f32 $-2.068604530e-01, v4;
	v10 =	vadd.f32 $4.797936380e-01, v10  }
0x50: {  	v8 =	vshra.s32 v8, $0x17;
	v11 =	vmul.f32 v11, v5  }
0x51: {  	v6 =	vadd.f32 v13, v6;
	v7 =	vadd.f32 $3.184105750e-01, v14;
	v10 =	vmul.f32 v10, v3  }
0x52: {  	v1 =	vimm.f32 $0.0e+00;
	v5 =	vadd.s32 $0x4AFB0D, v12;
	v9 =	vmul.f32 v11, v9  }
0x53: {  	v12 =	vmul.f32 v7, v4;
	v7 =	vmul.f32 v6, v6;
	v6 =	vld [tilespmem:s21+$0x0];
	v10 =	vadd.f32 $-7.212084530e-01, v10  }
0x54: {  	v14 =	vadd.s32 $0xFFFFFF81, v8;
	v13 =	vand.u32 $0x7FFFFF, v5;
	v8 =	vsub.f32 $2.000000000e+00, v9  }
0x55: {  	v9 =	vadd.f32 $-3.664137130e-01, v12;
	v12 =	vmul.f32 v10, v3;
	v10 =	vsub.s32 $0x7EF311C3, v7  }
0x56: {  	s22 =	simm.s32 $0x50;
	v13 =	vadd.s32 $0x3F3504F3, v13;
	v15 =	vmul.f32 v10, v7;
	v16 =	vmul.f32 v8, v11  }
0x57: {  	v8 =	vadd.f32 $-1.000000000e+00, v13;
	v13 =	vmul.f32 v9, v4;
	v12 =	vadd.f32 $1.442701700e+00, v12;
	v9 =	vld [tilespmem:s22+$0x2000]  }
0x58: {  	s23 =	simm.s32 $0x180;
	v11 =	vcvt.s32.f32 v14;
	v14 =	vsub.f32 $2.000000000e+00, v15;
	v6 =	vmul.f32 v16, v6  }
.LBB2_5:
0x59: {  	p0 =	sne.s32 s23, $0x7FC0;
	v15 =	vmul.f32 $-2.068604530e-01, v8;
	v13 =	vadd.f32 $4.797936380e-01, v13;
	v12 =	vmul.f32 v12, v3;
	v3 =	vmovc v4;
	v4 =	vmovc v8  }
0x5a: {  	v8 =	vmul.f32 v10, v14;
	[tilespmem:s21+$0x4000] =	vst v6;
	v1 =	vadd.f32 v6, v1;
	s21 =	smov.u32 s20;
	s20 =	smov.u32 s17;
	s17 =	smov.u32 s18  }
0x5b: {  	s18 =	smov.u32 s19;
	s19 =	smov.u32 s22;
	v6 =	vadd.f32 $3.184105750e-01, v15;
	v10 =	vmul.f32 v13, v3;
	v11 =	vadd.f32 v11, v12  }
0x5c: {  	v12 =	vshra.s32 v2, $0x17;
	v2 =	vmovc v5;
	v13 =	vmul.f32 v8, v7;
	v5 =	vadd.s32 $0x4AFB0D, v9  }
0x5d: {  	v6 =	vmul.f32 v6, v4;
	v9 =	vadd.f32 $-7.212084530e-01, v10;
	v7 =	vmul.f32 v11, v11;
	v15 =	vld [tilespmem:s21+$0x0]  }
.Ltmp1:
0x5e: {  	v14 =	vadd.s32 $0xFFFFFF81, v12;
	v11 =	vand.u32 $0x7FFFFF, v5;
	v12 =	vsub.f32 $2.000000000e+00, v13;
	(pc) =	sbr.rel @p0 .LBB2_5-.Ltmp1, $4  }
0x5f: {  	v6 =	vadd.f32 $-3.664137130e-01, v6;
	v16 =	vmul.f32 v9, v3;
	v10 =	vsub.s32 $0x7EF311C3, v7  }
0x60: {  	s22 =	sshra.s32 s23, $0x2;
	v11 =	vadd.s32 $0x3F3504F3, v11;
	v17 =	vmul.f32 v10, v7;
	v18 =	vmul.f32 v12, v8  }
0x61: {  	v8 =	vadd.f32 $-1.000000000e+00, v11;
	v9 =	vld [tilespmem:s22+$0x2000];
	v13 =	vmul.f32 v6, v4;
	v12 =	vadd.f32 $1.442701700e+00, v16  }
0x62: {  	s23 =	sadd.s32 $0x40, s23;
	v11 =	vcvt.s32.f32 v14;
	v14 =	vsub.f32 $2.000000000e+00, v17;
	v6 =	vmul.f32 v18, v15  }
0x63: {  	v15 =	vmul.f32 $-2.068604530e-01, v8  }
0x64: {  	v13 =	vadd.f32 $4.797936380e-01, v13  }
0x65: {  	v15 =	vadd.f32 $3.184105750e-01, v15  }
0x66: {  	v3 =	vmul.f32 v12, v3;
	v13 =	vmul.f32 v13, v4;
	v9 =	vadd.s32 $0x4AFB0D, v9  }
0x67: {  	v37 =	vmul.f32 v15, v8;
	v38 =	vand.u32 $0x7FFFFF, v9  }
0x68: {  	v3 =	vadd.f32 v11, v3;
	v13 =	vadd.f32 $-7.212084530e-01, v13;
	v39 =	vadd.s32 $0x3F3504F3, v38  }
0x69: {  	v10 =	vmul.f32 v10, v14;
	v12 =	vadd.f32 $-3.664137130e-01, v37;
	v11 =	vadd.f32 $-1.000000000e+00, v39  }
0x6a: {  	v2 =	vshra.s32 v2, $0x17;
	v3 =	vmul.f32 v3, v3;
	v13 =	vmul.f32 v13, v4  }
0x6b: {  	v2 =	vadd.s32 $0xFFFFFF81, v2;
	v12 =	vmul.f32 v12, v8;
	v40 =	vmul.f32 $-2.068604530e-01, v11  }
0x6c: {  	[tilespmem:s21+$0x4000] =	vst v6;
	v7 =	vmul.f32 v10, v7;
	v42 =	vsub.s32 $0x7EF311C3, v3;
	v13 =	vadd.f32 $1.442701700e+00, v13  }
0x6d: {  	v41 =	vld [tilespmem:s20+$0x0];
	v44 =	vmul.f32 v42, v3;
	v12 =	vadd.f32 $4.797936380e-01, v12;
	v43 =	vadd.f32 $3.184105750e-01, v40  }
0x6e: {  	v2 =	vcvt.s32.f32 v2;
	v7 =	vsub.f32 $2.000000000e+00, v7;
	v4 =	vmul.f32 v13, v4  }
0x6f: {  	v14 =	vsub.f32 $2.000000000e+00, v44;
	v12 =	vmul.f32 v12, v8;
	v13 =	vmul.f32 v43, v11  }
0x70: {  	v7 =	vmul.f32 v7, v10;
	v2 =	vadd.f32 v2, v4  }
0x71: {  	v10 =	vmul.f32 v42, v14;
	v45 =	vadd.f32 $-7.212084530e-01, v12;
	v46 =	vadd.f32 $-3.664137130e-01, v13  }
0x72: {  	v4 =	vmul.f32 v7, v41;
	v2 =	vmul.f32 v2, v2  }
0x73: {  	v5 =	vshra.s32 v5, $0x17;
	v7 =	vmul.f32 v45, v8;
	v12 =	vmul.f32 v46, v11  }
0x74: {  	v5 =	vadd.s32 $0xFFFFFF81, v5;
	v3 =	vmul.f32 v10, v3;
	[tilespmem:s20+$0x4000] =	vst v4  }
0x75: {  	v47 =	vld [tilespmem:s17+$0x0];
	v48 =	vsub.s32 $0x7EF311C3, v2;
	v7 =	vadd.f32 $1.442701700e+00, v7;
	v12 =	vadd.f32 $4.797936380e-01, v12  }
0x76: {  	v5 =	vcvt.s32.f32 v5;
	v3 =	vsub.f32 $2.000000000e+00, v3;
	v49 =	vmul.f32 v48, v2  }
0x77: {  	v7 =	vmul.f32 v7, v8;
	v50 =	vmul.f32 v12, v11  }
0x78: {  	v3 =	vmul.f32 v3, v10;
	v51 =	vsub.f32 $2.000000000e+00, v49  }
0x79: {  	v5 =	vadd.f32 v5, v7;
	v52 =	vadd.f32 $-7.212084530e-01, v50  }
0x7a: {  	v3 =	vmul.f32 v3, v47;
	v53 =	vmul.f32 v48, v51  }
0x7b: {  	v5 =	vmul.f32 v5, v5;
	v7 =	vmul.f32 v52, v11  }
0x7c: {  	[tilespmem:s17+$0x4000] =	vst v3;
	v2 =	vmul.f32 v53, v2  }
0x7d: {  	v9 =	vshra.s32 v9, $0x17;
	v54 =	vld [tilespmem:s18+$0x0];
	v55 =	vsub.s32 $0x7EF311C3, v5;
	v7 =	vadd.f32 $1.442701700e+00, v7  }
0x7e: {  	v9 =	vadd.s32 $0xFFFFFF81, v9;
	v2 =	vsub.f32 $2.000000000e+00, v2;
	v56 =	vmul.f32 v55, v5  }
0x7f: {  	v9 =	vcvt.s32.f32 v9;
	v7 =	vmul.f32 v7, v11  }
0x80: {  	v2 =	vmul.f32 v2, v53;
	v57 =	vsub.f32 $2.000000000e+00, v56  }
0x81: {  	v7 =	vadd.f32 v9, v7  }
0x82: {  	v2 =	vmul.f32 v2, v54;
	v8 =	vmul.f32 v55, v57  }
0x83: {  	v7 =	vmul.f32 v7, v7  }
0x84: {  	[tilespmem:s18+$0x4000] =	vst v2;
	v5 =	vmul.f32 v8, v5  }
0x85: {  	v58 =	vld [tilespmem:s19+$0x0];
	v59 =	vsub.s32 $0x7EF311C3, v7  }
0x86: {  	v5 =	vsub.f32 $2.000000000e+00, v5;
	v60 =	vmul.f32 v59, v7;
	_ =	sdelay $0x1  }
0x87: {  	v5 =	vmul.f32 v5, v8;
	v61 =	vsub.f32 $2.000000000e+00, v60;
	_ =	sdelay $0x1  }
0x88: {  	v1 =	vadd.f32 v6, v1;
	v5 =	vmul.f32 v5, v58;
	v62 =	vmul.f32 v59, v61;
	_ =	sdelay $0x1  }
0x89: {  	v1 =	vadd.f32 v4, v1;
	[tilespmem:s19+$0x4000] =	vst v5;
	v4 =	vmul.f32 v62, v7  }
0x8a: {  	v63 =	vld [tilespmem:s22+$0x0]  }
0x8b: {  	v1 =	vadd.f32 v3, v1;
	v3 =	vsub.f32 $2.000000000e+00, v4;
	_ =	sdelay $0x1  }
0x8c: {  	v1 =	vadd.f32 v2, v1;
	v2 =	vmul.f32 v3, v62;
	_ =	sdelay $0x1  }
0x8d: {  	v1 =	vadd.f32 v5, v1;
	v2 =	vmul.f32 v2, v63;
	_ =	sdelay $0x1  }
0x8e: {  	v1 =	vadd.f32 v2, v1;
	_ =	sdelay $0x1  }
0x8f: {  	(xrf2) =	vadd.scan.msk.f32 $0xffff, v1;
	_ =	sdelay $0x9  }
0x90: {  	v1, _, _ =	vpop (xrf2)  }
0x91: {  	v1 =	vbroadcast v1, $0xF;
	_ =	sdelay $0x1  }
0x92: {  	v3 =	vsub.s32 $0x7EF311C3, v1  }
0x93: {  	v4 =	vmul.f32 v3, v1;
	_ =	sdelay $0x1  }
0x94: {  	v4 =	vsub.f32 $2.000000000e+00, v4;
	_ =	sdelay $0x1  }
0x95: {  	v3 =	vmul.f32 v3, v4;
	_ =	sdelay $0x1  }
0x96: {  	s17 =	simm.s32 $0x0;
	[tilespmem:s22+$0x4000] =	vst v2;
	v1 =	vmul.f32 v3, v1  }
0x97: {  	v4 =	vld [tilespmem:s17+$0x4000]  }
0x98: {  	v1 =	vsub.f32 $2.000000000e+00, v1  }
0x99: {  	v2 =	vld [tilespmem:s17+$0x6000]  }
0x9a: {  	v1 =	vmul.f32 v1, v3;
	_ =	sdelay $0x1  }
0x9b: {  	v3 =	vmul.f32 v4, v1  }
0x9c: {  	s18 =	simm.s32 $0x10;
	s19 =	simm.s32 $0x80  }
.LBB2_7:
0x9d: {  	p0 =	sne.s32 s19, $0x7FC0;
	v4 =	vld [tilespmem:s18+$0x4000];
	v2 =	vmax.f32 v2, v3  }
0x9e: {  	[tilespmem:s17+$0x6000] =	vst v2;
	s17 =	smov.u32 s18  }
.Ltmp2:
0x9f: {  	v2 =	vld [tilespmem:s17+$0x6000];
	(pc) =	sbr.rel @p0 .LBB2_7-.Ltmp2, $3  }
0xa0: {  	_ =	sdelay $0x1  }
0xa1: {  	v3 =	vmul.f32 v4, v1  }
0xa2: {  	s18 =	sshra.s32 s19, $0x2;
	s19 =	sadd.s32 $0x40, s19  }
0xa3: {  	v4 =	vld [tilespmem:s18+$0x4000];
	v2 =	vmax.f32 v2, v3  }
0xa4: {  	[tilespmem:s17+$0x6000] =	vst v2  }
0xa5: {  	v2 =	vld [tilespmem:s18+$0x6000]  }
0xa6: {  	p0 =	sne.s32 s16, s9  }
.Ltmp3:
0xa7: {  	_ = 	snop;
	(pc) =	sbr.rel @p0 .LBB2_4-.Ltmp3, $3  }
0xa8: {  	v1 =	vmul.f32 v4, v1;
	_ =	sdelay $0x1  }
0xa9: {  	s31 =	sadd.s32 $0x1, s16;
	v1 =	vmax.f32 v2, v1  }
0xaa: {  	s16 =	smov.u32 s31;
	[tilespmem:s18+$0x6000] =	vst v1  }
0xab: {  	s15 =	sadd.s32 $0x1, s15  }
0xac: {  	p0 =	sne.s32 s15, s8  }
.Ltmp4:
0xad: {  	_ = 	snop;
	(pc) =	sbr.rel @p0 .LBB2_1-.Ltmp4, $4  }
0xae: {  	[hbm4b:s7+s10] =	stream.strided.scatter [tilespmem:s14], [sflag:$0x1], $0x2000, s11, s10, $0x38;
	[tilespmem:$0x8000] =	vst v63  }
0xaf: {  	_ =	swait.ge [sflag:s12], $0x2000  }
0xb0: {  	[sflag:s12] =	ssyncset.done $0x0  }
0xb1: {  	[sflag:s12] =	ssyncadd.s32 $0xFFFFE000  }
0xb2: {  	_ =	sfence.sel $0x180000  }
0xb3: {  	[bflag:$0x0] =	sbarrier.arrive $0xFFFF  }
0xb4: {  	p0 =	sne.s32 s2, $0x0;
	_ =	strace $0x90000047  }
0xb5: {  	s0 =	sadd.s32 @!p0 $0x100000, s0;
	[bflag:$0x2] =	sbarrier.arrive $0xFFFF  }
0xb6: {  	[sflag:s0] =	ssyncadd.tile.s32 @!p0 $0x1;
	_ =	shalt  }
.Lfunc_end2:
_tile_overlayer_lowered:
.L_overlay_start_2:
0xb7: {  	(tag) =	ssettag $0x2  }
0xb8: {  	s0 =	rddreg [dreg:$0x0];
	s2 =	stileid.u32  }
0xb9: {  	s1 =	rddreg [dreg:$0x1];
	p0 =	sne.s32 s2, $0x0  }
0xba: {  	s3 =	rddreg [dreg:$0x2];
	[bflag:$0x3] =	sbarrier.arrive $0xFFFF;
	s2 =	simm.s32 @!p0 $0x1C01  }
0xbb: {  	[timem:s3], [sflag:s2] =	dma.local @!p0 [hbm:s0], s1  }
0xbc: {  	s0 =	simm.s32 @!p0 $0x1  }
0xbd: {  	_ =	swait.ge @!p0 [sflag:s0], s1  }
0xbe: {  	s1 =	ssub.s32 @!p0 $0x0, s1;
	[sflag:s0] =	ssyncset.done @!p0 $0x0  }
0xbf: {  	[sflag:s0] =	ssyncadd.s32 @!p0 s1  }
0xc0: {  	[bflag:$0x3] =	sbarrier.arrive $0xFFFF  }
0xc1: {  	_ =	shalt  }

</sc_bundles>
